<compile_context>
chip_gen: v7x
topology: tpu7x:2x2x1
jax: 0.10.2.dev20260603
libtpu: 0.0.44.dev20260713+nightly
codegen_flags: <defaults>
</compile_context>

<pallas_src>
import functools

import numpy as np

import jax
import jax.numpy as jnp
from jax import lax
from jax.experimental import pallas as pl
from jax.experimental.pallas import tpu as pltpu
from jax.experimental.pallas import tpu_sc as plsc

SEQ = 50
USER = 1024
T = SEQ * USER
NCENT = 64
NCAND = 64
D = 20
NW = 32
TPW = T // NW
CPW = (NCENT * NCAND) // NW

_E1 = np.float32(np.e)


def _dotl(a, b):
    return jnp.dot(a.astype(jnp.bfloat16), b.astype(jnp.bfloat16),
                   preferred_element_type=jnp.float32)


PADW = 128
CH = 400
NCHUNK = TPW // CH


def _sc_gather(vpad, xv, cand_flat):
    mesh = plsc.VectorSubcoreMesh(core_axis_name="c", subcore_axis_name="s")

    @functools.partial(
        pl.kernel,
        out_type=[
            jax.ShapeDtypeStruct((T, PADW), jnp.float32),
            jax.ShapeDtypeStruct((NCENT * NCAND, PADW), jnp.float32),
        ],
        mesh=mesh,
        scratch_types=[
            [pltpu.VMEM((CH,), jnp.int32) for _ in range(NCHUNK)],
            pltpu.VMEM((CH, PADW), jnp.float32),
            pltpu.VMEM((CPW,), jnp.int32),
            pltpu.VMEM((CPW, PADW), jnp.float32),
            pltpu.SemaphoreType.DMA,
        ],
    )
    def k(vpad_hbm, xv_hbm, cf_hbm, xemb_out, candr_out,
          idx_vs, rows_v, cidx_v, crow_v, sem):
        wid = lax.axis_index("s") * 2 + lax.axis_index("c")
        base = wid * TPW
        for c in range(NCHUNK):
            pltpu.sync_copy(xv_hbm.at[pl.ds(base + c * CH, CH)], idx_vs[c])
            pltpu.async_copy(vpad_hbm.at[idx_vs[c]], rows_v, sem).wait()
            pltpu.sync_copy(rows_v, xemb_out.at[pl.ds(base + c * CH, CH)])
        cbase = wid * CPW
        pltpu.sync_copy(cf_hbm.at[pl.ds(cbase, CPW)], cidx_v)
        pltpu.async_copy(vpad_hbm.at[cidx_v], crow_v, sem).wait()
        pltpu.sync_copy(crow_v, candr_out.at[pl.ds(cbase, CPW)])

    return k(vpad, xv, cand_flat)


def _prep_body(candr_ref, te2_ref, wi1a_ref, wi1b_ref, bi1_ref, wi2_ref,
               bi2_ref, out_ref):
    cr = candr_ref[...]
    h = (_dotl(cr, wi1a_ref[...]) + _dotl(te2_ref[...], wi1b_ref[...])
         + bi1_ref[...])
    h = jnp.maximum(h, 0.0)
    out_ref[...] = _dotl(h, wi2_ref[...]) + bi2_ref[...]


def _prep(candr, te2, wi1a, wi1b, bi1, wi2, bi2):
    return pl.pallas_call(
        _prep_body,
        out_shape=jax.ShapeDtypeStruct((NCENT * NCAND, D), jnp.float32),
    )(candr, te2, wi1a, wi1b, bi1, wi2, bi2)


def _main_body(x4_ref, x3_ref, x2_ref, x1_ref, x0_ref, tsl_ref,
               tcat_ref, rcat_ref,
               w1_4_ref, w1_3_ref, w1_2_ref, w1_1_ref, w1_0_ref, bs1_ref,
               ws2_ref, bs2_ref, woa_ref, wob_ref, bo1_ref, wo2_ref, bo2_ref,
               te_ref, out_ref):
    f32 = jnp.float32
    dot = functools.partial(jnp.dot, preferred_element_type=f32,
                            precision=jax.lax.Precision.HIGHEST)
    x0 = x0_ref[...]
    xcur = x0[:, :D]
    cent = x0[:, D:D + 1].astype(jnp.int32)

    h1 = (_dotl(x4_ref[:, :D], w1_4_ref[...])
          + _dotl(x3_ref[:, :D], w1_3_ref[...])
          + _dotl(x2_ref[:, :D], w1_2_ref[...])
          + _dotl(x1_ref[:, :D], w1_1_ref[...])
          + _dotl(xcur, w1_0_ref[...]) + bs1_ref[...])
    h1 = jnp.maximum(h1, 0.0)
    hist_e = _dotl(h1, ws2_ref[...]) + bs2_ref[...]

    tv = tsl_ref[...]
    hh = tv % 24
    seg = jnp.where((hh >= 22) | (hh < 6), 0,
                    jnp.where((hh >= 6) & (hh < 14), 1, 2))
    seg4 = lax.broadcasted_iota(jnp.int32, (USER, 4), 1)
    ht = (seg4 == seg).astype(f32)
    xte = dot(ht, te_ref[...])
    xh = (_dotl(xcur, woa_ref[...]) + _dotl(xte, wob_ref[...])
          + bo1_ref[...])
    xh = jnp.maximum(xh, 0.0)
    xi = _dotl(xh, wo2_ref[...]) + bo2_ref[...]

    q = (hist_e + xi) * 0.5

    qt = q.T
    xct = xcur.T
    centt = cent.reshape(1, USER)
    sub64 = lax.broadcasted_iota(jnp.int32, (NCAND, USER), 0)
    hselt = (sub64 == centt).astype(f32)
    dist2 = None
    for c in range(D // 4):
        ce4 = dot(tcat_ref[c * 256:(c + 1) * 256, :], hselt)
        for dd in range(4):
            d = 4 * c + dd
            df = ce4[dd * NCAND:(dd + 1) * NCAND, :] - qt[d:d + 1, :]
            dist2 = df * df if dist2 is None else dist2 + df * df
    dist = jnp.sqrt(dist2 + 1e-12)
    score = jnp.exp(-0.02 * dist)

    rem = score
    mask = jnp.zeros((NCAND, USER), dtype=jnp.bool_)
    for _ in range(10):
        mx = jnp.max(rem, axis=0, keepdims=True)
        eq = rem == mx
        first = jnp.min(jnp.where(eq, sub64, NCAND), axis=0, keepdims=True)
        pick = sub64 == first
        mask = mask | pick
        rem = jnp.where(pick, -1.0, rem)

    w = jnp.where(mask, jnp.exp(score), 0.0)
    den = jnp.sum(w, axis=0, keepdims=True) + _E1

    for c in range(D // 4):
        cer4 = dot(rcat_ref[c * 256:(c + 1) * 256, :], hselt)
        for dd in range(4):
            d = 4 * c + dd
            num_d = jnp.sum(w * cer4[dd * NCAND:(dd + 1) * NCAND, :],
                            axis=0, keepdims=True)
            out_ref[d:d + 1, :] = (num_d + _E1 * xct[d:d + 1, :]) / den


def _main(x_emb_pad, tsl_col, tcat, rcat,
          w1s, bs1, ws2, bs2, woa, wob, bo1, wo2, bo2, te):
    def xspec(k):
        return pl.BlockSpec(
            (USER, PADW),
            lambda s, k=k: (jnp.where(s >= k, s - k, s), 0))

    full = lambda shp: pl.BlockSpec(shp, lambda s: (0,) * len(shp))
    in_specs = [
        xspec(4), xspec(3), xspec(2), xspec(1), xspec(0),
        pl.BlockSpec((USER, 1), lambda s: (s, 0)),
        full((D * NCAND, NCENT)),
        full((D * NCAND, NCENT)),
        full((D, 40)), full((D, 40)), full((D, 40)), full((D, 40)),
        full((D, 40)),
        full((1, 40)),
        full((40, D)), full((1, D)),
        full((D, 40)), full((D, 40)), full((1, 40)),
        full((40, D)), full((1, D)),
        full((4, D)),
    ]
    return pl.pallas_call(
        _main_body,
        grid=(SEQ,),
        in_specs=in_specs,
        out_specs=pl.BlockSpec((D, USER), lambda s: (0, s)),
        out_shape=jax.ShapeDtypeStruct((D, T), jnp.float32),
    )(x_emb_pad, x_emb_pad, x_emb_pad, x_emb_pad, x_emb_pad, tsl_col,
      tcat, rcat,
      w1s[0], w1s[1], w1s[2], w1s[3], w1s[4], bs1, ws2, bs2,
      woa, wob, bo1, wo2, bo2, te)


def kernel(x, t_slot, y, y_t_slot, vecs_use, I_array, cand_table,
           time_embeddings, Ws1, bs1, Ws2, bs2, Wo1, bo1, Wo2, bo2,
           Wi1, bi1, Wi2, bi2):
    del y, y_t_slot
    xv = x.reshape(-1).astype(jnp.int32)
    tsl_col = t_slot.reshape(-1, 1).astype(jnp.int32)
    cand_flat = cand_table.reshape(-1).astype(jnp.int32)

    vpad = jnp.pad(
        jnp.concatenate(
            [vecs_use, I_array.astype(jnp.float32)[:, None]], axis=1),
        ((0, 0), (0, PADW - D - 1)))

    x_emb_pad, candr_pad = _sc_gather(vpad, xv, cand_flat)
    candr = candr_pad[:, :D]

    te2 = time_embeddings[2:3]
    tabt = _prep(candr, te2, Wi1[:D], Wi1[D:], bi1.reshape(1, -1),
                 Wi2, bi2.reshape(1, -1))

    tcat = tabt.reshape(NCENT, NCAND, D).transpose(2, 1, 0).reshape(
        D * NCAND, NCENT)
    rcat = candr.reshape(NCENT, NCAND, D).transpose(2, 1, 0).reshape(
        D * NCAND, NCENT)

    w1s = [Ws1[0:D], Ws1[D:2 * D], Ws1[2 * D:3 * D], Ws1[3 * D:4 * D],
           Ws1[4 * D:5 * D]]
    out_t = _main(x_emb_pad, tsl_col, tcat, rcat,
                  w1s, bs1.reshape(1, -1), Ws2, bs2.reshape(1, -1),
                  Wo1[:D], Wo1[D:], bo1.reshape(1, -1), Wo2,
                  bo2.reshape(1, -1), time_embeddings)
    return out_t.T

# --- scband reference (transcript-rebuilt; emitter-appended) ---
"""Pipeline reference for scband-dy-graph-combined-model-31739808317572 (READ-ONLY COPY).

The authoritative reference and input builder live on the scoring server;
editing this copy changes nothing except your own understanding.
"""

import jax, jax.numpy as jnp
import numpy as np


def _map_hour_to_segment(t):
    h = t % 24
    return jnp.where((h >= 22) | (h < 6), 0, jnp.where((h >= 6) & (h < 14), 1, 2))


def setup_inputs(seed: int = 0):
    key = jax.random.key(seed)
    ks = jax.random.split(key, 20)
    seq_len, user_len = 50, 1024
    num_locs = 100000
    num_centroids = 64
    n_cand = 64

    def lin_w(k, fi, fo):
        return (jax.random.normal(k, (fi, fo), dtype=jnp.float32) / np.sqrt(fi)).astype(jnp.float32)

    inp = {}
    inp["x"] = jax.random.randint(ks[0], (seq_len, user_len), 0, num_locs)
    inp["t_slot"] = jax.random.randint(ks[1], (seq_len, user_len), 0, 168)
    inp["y"] = jax.random.randint(ks[2], (seq_len, user_len), 0, num_locs)
    inp["y_t_slot"] = jax.random.randint(ks[3], (seq_len, user_len), 0, 168)
    inp["vecs_use"] = jax.random.normal(ks[4], (num_locs, 20), dtype=jnp.float32) * 0.1
    inp["I_array"] = jax.random.randint(ks[5], (num_locs,), 0, num_centroids)
    inp["cand_table"] = jax.random.randint(ks[6], (num_centroids, n_cand), 0, num_locs)
    inp["time_embeddings"] = jax.random.normal(ks[7], (4, 20), dtype=jnp.float32) * 0.1
    inp["Ws1"] = lin_w(ks[8], 100, 40)
    inp["bs1"] = jnp.zeros((40,), dtype=jnp.float32)
    inp["Ws2"] = lin_w(ks[9], 40, 20)
    inp["bs2"] = jnp.zeros((20,), dtype=jnp.float32)
    inp["Wo1"] = lin_w(ks[10], 40, 40)
    inp["bo1"] = jnp.zeros((40,), dtype=jnp.float32)
    inp["Wo2"] = lin_w(ks[11], 40, 20)
    inp["bo2"] = jnp.zeros((20,), dtype=jnp.float32)
    inp["Wi1"] = lin_w(ks[12], 40, 40)
    inp["bi1"] = jnp.zeros((40,), dtype=jnp.float32)
    inp["Wi2"] = lin_w(ks[13], 40, 20)
    inp["bi2"] = jnp.zeros((20,), dtype=jnp.float32)
    return inp


def _forward(x, t_slot, vecs_use, I_array, cand_table, time_embeddings,
             Ws1, bs1, Ws2, bs2, Wo1, bo1, Wo2, bo2, Wi1, bi1, Wi2, bi2):
    seq_len, user_len = x.shape
    xv = x.reshape(-1)
    tv = t_slot.reshape(-1)
    seg = _map_hour_to_segment(tv)
    # x embeddings + time-conditioned query transform (time_transfer_out)
    x_emb = jnp.take(vecs_use, xv, axis=0)
    x_time_emb = jnp.take(time_embeddings, seg, axis=0)
    xi = jnp.concatenate([x_emb, x_time_emb], axis=-1)
    xi = jax.nn.relu(xi @ Wo1 + bo1) @ Wo2 + bo2
    # target-time-conditioned key transform over all locations (time_transfer_in)
    rand_emb = jnp.broadcast_to(time_embeddings[2], (vecs_use.shape[0], 20))
    vec_output = jnp.concatenate([vecs_use, rand_emb], axis=-1)
    vec_output = jax.nn.relu(vec_output @ Wi1 + bi1) @ Wi2 + bi2
    # 5-step history concat (edge-clamped shifts) -> seq embedding MLP
    x3 = x_emb.reshape(seq_len, user_len, 20)

    def shift(k):
        return jnp.concatenate([x3[0:k], x3[0:seq_len - k]], axis=0).reshape(-1, 20)

    hist = jnp.concatenate([shift(4), shift(3), shift(2), shift(1), x3.reshape(-1, 20)], axis=-1)
    hist = jax.nn.relu(hist @ Ws1 + bs1) @ Ws2 + bs2
    # faiss-style coarse quantizer: centroid id per token -> candidate list
    cent = jnp.take(I_array, xv, axis=0)
    cands = jnp.take(cand_table, cent, axis=0)            # [T, C]
    cand_emb = jnp.take(vec_output, cands, axis=0)        # [T, C, 20]
    query = (hist + xi) / 2.0
    dist = jnp.sqrt(jnp.sum((query[:, None, :] - cand_emb) ** 2, axis=2) + 1e-12)
    score = jnp.exp(-0.02 * dist)
    vals, idxs = jax.lax.top_k(score, 10)
    neigh = jnp.take_along_axis(cands, idxs, axis=1)      # [T, 10]
    emb_n = jnp.take(vecs_use, neigh.reshape(-1), axis=0).reshape(vals.shape[0], 10, 20)
    self_e = jnp.take(vecs_use, xv, axis=0)[:, None, :]
    emb_all = jnp.concatenate([emb_n, self_e], axis=1)    # [T, 11, 20]
    vals_all = jnp.concatenate([vals, jnp.ones((vals.shape[0], 1), dtype=vals.dtype)], axis=-1)
    w = jax.nn.softmax(vals_all, axis=-1)
    return jnp.sum(emb_all * w[:, :, None], axis=1)       # [T, 20]


def reference(x, t_slot, y, y_t_slot, vecs_use, I_array, cand_table, time_embeddings,
              Ws1, bs1, Ws2, bs2, Wo1, bo1, Wo2, bo2, Wi1, bi1, Wi2, bi2):
    return _forward(x, t_slot, vecs_use, I_array, cand_table, time_embeddings,
                    Ws1, bs1, Ws2, bs2, Wo1, bo1, Wo2, bo2, Wi1, bi1, Wi2, bi2)

if __name__ == "__main__":
    import jax
    _d = setup_inputs()
    print(jax.jit(kernel)(*tuple(_d.values())))

</pallas_src>

<mosaic_0001>
#map = affine_map<(d0, d1) -> (0, 0)>
#map1 = affine_map<(d0, d1) -> (0)>
module attributes {stable_mosaic.version = 14 : i64} {
  func.func @k(%arg0: i32, %arg1: i32, %arg2: memref<100000x128xf32, #tpu.memory_space<hbm>>, %arg3: memref<51200xi32, #tpu.memory_space<hbm>>, %arg4: memref<4096xi32, #tpu.memory_space<hbm>>, %arg5: memref<51200x128xf32, #tpu.memory_space<hbm>>, %arg6: memref<4096x128xf32, #tpu.memory_space<hbm>>, %arg7: memref<400xi32, #tpu.memory_space<vmem>>, %arg8: memref<400xi32, #tpu.memory_space<vmem>>, %arg9: memref<400xi32, #tpu.memory_space<vmem>>, %arg10: memref<400xi32, #tpu.memory_space<vmem>>, %arg11: memref<400x128xf32, #tpu.memory_space<vmem>>, %arg12: memref<128xi32, #tpu.memory_space<vmem>>, %arg13: memref<128x128xf32, #tpu.memory_space<vmem>>, %arg14: memref<!tpu.dma_semaphore, #tpu.memory_space<semaphore_mem>>) attributes {dimension_semantics = [#tpu.dimension_semantics<core_parallel>, #tpu.dimension_semantics<subcore_parallel>], iteration_bounds = array<i64: 2, 16>, scalar_prefetch = 0 : i64, scratch_operands = 8 : i64, tpu.core_type = #tpu.core_type<sc_vector_subcore>, window_params = [{transform_indices = #map}, {transform_indices = #map1}, {transform_indices = #map1}, {transform_indices = #map}, {transform_indices = #map}]} {
    %mul3A = arith.constant 2 : i32
    %mul3A_0 = arith.muli %arg1, %mul3A : i32
    %add3A = arith.addi %mul3A_0, %arg0 : i32
    %mul3A_1 = arith.constant 1600 : i32
    %mul3A_2 = arith.muli %add3A, %mul3A_1 : i32
    %add3A_3 = arith.constant 0 : i32
    %add3A_4 = arith.addi %mul3A_2, %add3A_3 : i32
    "tpu.region"() ({
      %run_scoped3A = tpu.sem_alloc : memref<!tpu.dma_semaphore, #tpu.memory_space<semaphore_mem>>
      %dma_start3A_49 = tpu.memref_slice %arg3[%add3A_4] : memref<51200xi32, #tpu.memory_space<hbm>> -> memref<400xi32, #tpu.memory_space<hbm>>
      %dma_start3A_50 = tpu.memref_slice %arg3[%add3A_4] : memref<51200xi32, #tpu.memory_space<hbm>> -> memref<400xi32, #tpu.memory_space<hbm>>
      tpu.enqueue_dma source(%dma_start3A_50 : memref<400xi32, #tpu.memory_space<hbm>>) target(%arg7 : memref<400xi32, #tpu.memory_space<vmem>>) target_semaphore(%run_scoped3A : memref<!tpu.dma_semaphore, #tpu.memory_space<semaphore_mem>>)
      %dma_wait3A_51 = tpu.memref_slice %arg3[%add3A_4] : memref<51200xi32, #tpu.memory_space<hbm>> -> memref<400xi32, #tpu.memory_space<hbm>>
      %dma_wait3A_52 = tpu.memref_slice %arg3[%add3A_4] : memref<51200xi32, #tpu.memory_space<hbm>> -> memref<400xi32, #tpu.memory_space<hbm>>
      tpu.wait_dma2 semaphore(%run_scoped3A : memref<!tpu.dma_semaphore, #tpu.memory_space<semaphore_mem>>) src(%dma_wait3A_52 : memref<400xi32, #tpu.memory_space<hbm>>) dst(%arg7 : memref<400xi32, #tpu.memory_space<vmem>>)
      tpu.yield
    }) : () -> ()
    %dma_start3A = arith.constant 0 : i32
    %dma_start3A_5 = arith.constant 0 : i32
    %dma_start3A_6 = tpu.memref_slice %arg2[%dma_start3A, %dma_start3A_5] : memref<100000x128xf32, #tpu.memory_space<hbm>> -> memref<100000x128xf32, #tpu.memory_space<hbm>>
    tpu.enqueue_indirect_dma source(%dma_start3A_6 : memref<100000x128xf32, #tpu.memory_space<hbm>>) target(%arg11 : memref<400x128xf32, #tpu.memory_space<vmem>>) offsets(%arg7 : memref<400xi32, #tpu.memory_space<vmem>>) semaphore(%arg14 : memref<!tpu.dma_semaphore, #tpu.memory_space<semaphore_mem>>)
    %dma_wait3A = arith.constant 0 : i32
    %dma_wait3A_7 = arith.constant 0 : i32
    %dma_wait3A_8 = tpu.memref_slice %arg2[%dma_wait3A, %dma_wait3A_7] : memref<100000x128xf32, #tpu.memory_space<hbm>> -> memref<100000x128xf32, #tpu.memory_space<hbm>>
    tpu.wait_indirect_dma semaphore(%arg14 : memref<!tpu.dma_semaphore, #tpu.memory_space<semaphore_mem>>) src(%dma_wait3A_8 : memref<100000x128xf32, #tpu.memory_space<hbm>>) dst(%arg11 : memref<400x128xf32, #tpu.memory_space<vmem>>)
    %add3A_9 = arith.constant 0 : i32
    %add3A_10 = arith.addi %mul3A_2, %add3A_9 : i32
    "tpu.region"() ({
      %run_scoped3A = tpu.sem_alloc : memref<!tpu.dma_semaphore, #tpu.memory_space<semaphore_mem>>
      %dma_start3A_49 = arith.constant 0 : i32
      %dma_start3A_50 = tpu.memref_slice %arg5[%add3A_10, %dma_start3A_49] : memref<51200x128xf32, #tpu.memory_space<hbm>> -> memref<400x128xf32, #tpu.memory_space<hbm>>
      %dma_start3A_51 = arith.constant 0 : i32
      %dma_start3A_52 = tpu.memref_slice %arg5[%add3A_10, %dma_start3A_51] : memref<51200x128xf32, #tpu.memory_space<hbm>> -> memref<400x128xf32, #tpu.memory_space<hbm>>
      tpu.enqueue_dma source(%arg11 : memref<400x128xf32, #tpu.memory_space<vmem>>) target(%dma_start3A_52 : memref<400x128xf32, #tpu.memory_space<hbm>>) target_semaphore(%run_scoped3A : memref<!tpu.dma_semaphore, #tpu.memory_space<semaphore_mem>>)
      %dma_wait3A_53 = arith.constant 0 : i32
      %dma_wait3A_54 = tpu.memref_slice %arg5[%add3A_10, %dma_wait3A_53] : memref<51200x128xf32, #tpu.memory_space<hbm>> -> memref<400x128xf32, #tpu.memory_space<hbm>>
      %dma_wait3A_55 = arith.constant 0 : i32
      %dma_wait3A_56 = tpu.memref_slice %arg5[%add3A_10, %dma_wait3A_55] : memref<51200x128xf32, #tpu.memory_space<hbm>> -> memref<400x128xf32, #tpu.memory_space<hbm>>
      tpu.wait_dma2 semaphore(%run_scoped3A : memref<!tpu.dma_semaphore, #tpu.memory_space<semaphore_mem>>) src(%arg11 : memref<400x128xf32, #tpu.memory_space<vmem>>) dst(%dma_wait3A_56 : memref<400x128xf32, #tpu.memory_space<hbm>>)
      tpu.yield
    }) : () -> ()
    %add3A_11 = arith.constant 400 : i32
    %add3A_12 = arith.addi %mul3A_2, %add3A_11 : i32
    "tpu.region"() ({
      %run_scoped3A = tpu.sem_alloc : memref<!tpu.dma_semaphore, #tpu.memory_space<semaphore_mem>>
      %dma_start3A_49 = tpu.memref_slice %arg3[%add3A_12] : memref<51200xi32, #tpu.memory_space<hbm>> -> memref<400xi32, #tpu.memory_space<hbm>>
      %dma_start3A_50 = tpu.memref_slice %arg3[%add3A_12] : memref<51200xi32, #tpu.memory_space<hbm>> -> memref<400xi32, #tpu.memory_space<hbm>>
      tpu.enqueue_dma source(%dma_start3A_50 : memref<400xi32, #tpu.memory_space<hbm>>) target(%arg8 : memref<400xi32, #tpu.memory_space<vmem>>) target_semaphore(%run_scoped3A : memref<!tpu.dma_semaphore, #tpu.memory_space<semaphore_mem>>)
      %dma_wait3A_51 = tpu.memref_slice %arg3[%add3A_12] : memref<51200xi32, #tpu.memory_space<hbm>> -> memref<400xi32, #tpu.memory_space<hbm>>
      %dma_wait3A_52 = tpu.memref_slice %arg3[%add3A_12] : memref<51200xi32, #tpu.memory_space<hbm>> -> memref<400xi32, #tpu.memory_space<hbm>>
      tpu.wait_dma2 semaphore(%run_scoped3A : memref<!tpu.dma_semaphore, #tpu.memory_space<semaphore_mem>>) src(%dma_wait3A_52 : memref<400xi32, #tpu.memory_space<hbm>>) dst(%arg8 : memref<400xi32, #tpu.memory_space<vmem>>)
      tpu.yield
    }) : () -> ()
    %dma_start3A_13 = arith.constant 0 : i32
    %dma_start3A_14 = arith.constant 0 : i32
    %dma_start3A_15 = tpu.memref_slice %arg2[%dma_start3A_13, %dma_start3A_14] : memref<100000x128xf32, #tpu.memory_space<hbm>> -> memref<100000x128xf32, #tpu.memory_space<hbm>>
    tpu.enqueue_indirect_dma source(%dma_start3A_15 : memref<100000x128xf32, #tpu.memory_space<hbm>>) target(%arg11 : memref<400x128xf32, #tpu.memory_space<vmem>>) offsets(%arg8 : memref<400xi32, #tpu.memory_space<vmem>>) semaphore(%arg14 : memref<!tpu.dma_semaphore, #tpu.memory_space<semaphore_mem>>)
    %dma_wait3A_16 = arith.constant 0 : i32
    %dma_wait3A_17 = arith.constant 0 : i32
    %dma_wait3A_18 = tpu.memref_slice %arg2[%dma_wait3A_16, %dma_wait3A_17] : memref<100000x128xf32, #tpu.memory_space<hbm>> -> memref<100000x128xf32, #tpu.memory_space<hbm>>
    tpu.wait_indirect_dma semaphore(%arg14 : memref<!tpu.dma_semaphore, #tpu.memory_space<semaphore_mem>>) src(%dma_wait3A_18 : memref<100000x128xf32, #tpu.memory_space<hbm>>) dst(%arg11 : memref<400x128xf32, #tpu.memory_space<vmem>>)
    %add3A_19 = arith.constant 400 : i32
    %add3A_20 = arith.addi %mul3A_2, %add3A_19 : i32
    "tpu.region"() ({
      %run_scoped3A = tpu.sem_alloc : memref<!tpu.dma_semaphore, #tpu.memory_space<semaphore_mem>>
      %dma_start3A_49 = arith.constant 0 : i32
      %dma_start3A_50 = tpu.memref_slice %arg5[%add3A_20, %dma_start3A_49] : memref<51200x128xf32, #tpu.memory_space<hbm>> -> memref<400x128xf32, #tpu.memory_space<hbm>>
      %dma_start3A_51 = arith.constant 0 : i32
      %dma_start3A_52 = tpu.memref_slice %arg5[%add3A_20, %dma_start3A_51] : memref<51200x128xf32, #tpu.memory_space<hbm>> -> memref<400x128xf32, #tpu.memory_space<hbm>>
      tpu.enqueue_dma source(%arg11 : memref<400x128xf32, #tpu.memory_space<vmem>>) target(%dma_start3A_52 : memref<400x128xf32, #tpu.memory_space<hbm>>) target_semaphore(%run_scoped3A : memref<!tpu.dma_semaphore, #tpu.memory_space<semaphore_mem>>)
      %dma_wait3A_53 = arith.constant 0 : i32
      %dma_wait3A_54 = tpu.memref_slice %arg5[%add3A_20, %dma_wait3A_53] : memref<51200x128xf32, #tpu.memory_space<hbm>> -> memref<400x128xf32, #tpu.memory_space<hbm>>
      %dma_wait3A_55 = arith.constant 0 : i32
      %dma_wait3A_56 = tpu.memref_slice %arg5[%add3A_20, %dma_wait3A_55] : memref<51200x128xf32, #tpu.memory_space<hbm>> -> memref<400x128xf32, #tpu.memory_space<hbm>>
      tpu.wait_dma2 semaphore(%run_scoped3A : memref<!tpu.dma_semaphore, #tpu.memory_space<semaphore_mem>>) src(%arg11 : memref<400x128xf32, #tpu.memory_space<vmem>>) dst(%dma_wait3A_56 : memref<400x128xf32, #tpu.memory_space<hbm>>)
      tpu.yield
    }) : () -> ()
    %add3A_21 = arith.constant 800 : i32
    %add3A_22 = arith.addi %mul3A_2, %add3A_21 : i32
    "tpu.region"() ({
      %run_scoped3A = tpu.sem_alloc : memref<!tpu.dma_semaphore, #tpu.memory_space<semaphore_mem>>
      %dma_start3A_49 = tpu.memref_slice %arg3[%add3A_22] : memref<51200xi32, #tpu.memory_space<hbm>> -> memref<400xi32, #tpu.memory_space<hbm>>
      %dma_start3A_50 = tpu.memref_slice %arg3[%add3A_22] : memref<51200xi32, #tpu.memory_space<hbm>> -> memref<400xi32, #tpu.memory_space<hbm>>
      tpu.enqueue_dma source(%dma_start3A_50 : memref<400xi32, #tpu.memory_space<hbm>>) target(%arg9 : memref<400xi32, #tpu.memory_space<vmem>>) target_semaphore(%run_scoped3A : memref<!tpu.dma_semaphore, #tpu.memory_space<semaphore_mem>>)
      %dma_wait3A_51 = tpu.memref_slice %arg3[%add3A_22] : memref<51200xi32, #tpu.memory_space<hbm>> -> memref<400xi32, #tpu.memory_space<hbm>>
      %dma_wait3A_52 = tpu.memref_slice %arg3[%add3A_22] : memref<51200xi32, #tpu.memory_space<hbm>> -> memref<400xi32, #tpu.memory_space<hbm>>
      tpu.wait_dma2 semaphore(%run_scoped3A : memref<!tpu.dma_semaphore, #tpu.memory_space<semaphore_mem>>) src(%dma_wait3A_52 : memref<400xi32, #tpu.memory_space<hbm>>) dst(%arg9 : memref<400xi32, #tpu.memory_space<vmem>>)
      tpu.yield
    }) : () -> ()
    %dma_start3A_23 = arith.constant 0 : i32
    %dma_start3A_24 = arith.constant 0 : i32
    %dma_start3A_25 = tpu.memref_slice %arg2[%dma_start3A_23, %dma_start3A_24] : memref<100000x128xf32, #tpu.memory_space<hbm>> -> memref<100000x128xf32, #tpu.memory_space<hbm>>
    tpu.enqueue_indirect_dma source(%dma_start3A_25 : memref<100000x128xf32, #tpu.memory_space<hbm>>) target(%arg11 : memref<400x128xf32, #tpu.memory_space<vmem>>) offsets(%arg9 : memref<400xi32, #tpu.memory_space<vmem>>) semaphore(%arg14 : memref<!tpu.dma_semaphore, #tpu.memory_space<semaphore_mem>>)
    %dma_wait3A_26 = arith.constant 0 : i32
    %dma_wait3A_27 = arith.constant 0 : i32
    %dma_wait3A_28 = tpu.memref_slice %arg2[%dma_wait3A_26, %dma_wait3A_27] : memref<100000x128xf32, #tpu.memory_space<hbm>> -> memref<100000x128xf32, #tpu.memory_space<hbm>>
    tpu.wait_indirect_dma semaphore(%arg14 : memref<!tpu.dma_semaphore, #tpu.memory_space<semaphore_mem>>) src(%dma_wait3A_28 : memref<100000x128xf32, #tpu.memory_space<hbm>>) dst(%arg11 : memref<400x128xf32, #tpu.memory_space<vmem>>)
    %add3A_29 = arith.constant 800 : i32
    %add3A_30 = arith.addi %mul3A_2, %add3A_29 : i32
    "tpu.region"() ({
      %run_scoped3A = tpu.sem_alloc : memref<!tpu.dma_semaphore, #tpu.memory_space<semaphore_mem>>
      %dma_start3A_49 = arith.constant 0 : i32
      %dma_start3A_50 = tpu.memref_slice %arg5[%add3A_30, %dma_start3A_49] : memref<51200x128xf32, #tpu.memory_space<hbm>> -> memref<400x128xf32, #tpu.memory_space<hbm>>
      %dma_start3A_51 = arith.constant 0 : i32
      %dma_start3A_52 = tpu.memref_slice %arg5[%add3A_30, %dma_start3A_51] : memref<51200x128xf32, #tpu.memory_space<hbm>> -> memref<400x128xf32, #tpu.memory_space<hbm>>
      tpu.enqueue_dma source(%arg11 : memref<400x128xf32, #tpu.memory_space<vmem>>) target(%dma_start3A_52 : memref<400x128xf32, #tpu.memory_space<hbm>>) target_semaphore(%run_scoped3A : memref<!tpu.dma_semaphore, #tpu.memory_space<semaphore_mem>>)
      %dma_wait3A_53 = arith.constant 0 : i32
      %dma_wait3A_54 = tpu.memref_slice %arg5[%add3A_30, %dma_wait3A_53] : memref<51200x128xf32, #tpu.memory_space<hbm>> -> memref<400x128xf32, #tpu.memory_space<hbm>>
      %dma_wait3A_55 = arith.constant 0 : i32
      %dma_wait3A_56 = tpu.memref_slice %arg5[%add3A_30, %dma_wait3A_55] : memref<51200x128xf32, #tpu.memory_space<hbm>> -> memref<400x128xf32, #tpu.memory_space<hbm>>
      tpu.wait_dma2 semaphore(%run_scoped3A : memref<!tpu.dma_semaphore, #tpu.memory_space<semaphore_mem>>) src(%arg11 : memref<400x128xf32, #tpu.memory_space<vmem>>) dst(%dma_wait3A_56 : memref<400x128xf32, #tpu.memory_space<hbm>>)
      tpu.yield
    }) : () -> ()
    %add3A_31 = arith.constant 1200 : i32
    %add3A_32 = arith.addi %mul3A_2, %add3A_31 : i32
    "tpu.region"() ({
      %run_scoped3A = tpu.sem_alloc : memref<!tpu.dma_semaphore, #tpu.memory_space<semaphore_mem>>
      %dma_start3A_49 = tpu.memref_slice %arg3[%add3A_32] : memref<51200xi32, #tpu.memory_space<hbm>> -> memref<400xi32, #tpu.memory_space<hbm>>
      %dma_start3A_50 = tpu.memref_slice %arg3[%add3A_32] : memref<51200xi32, #tpu.memory_space<hbm>> -> memref<400xi32, #tpu.memory_space<hbm>>
      tpu.enqueue_dma source(%dma_start3A_50 : memref<400xi32, #tpu.memory_space<hbm>>) target(%arg10 : memref<400xi32, #tpu.memory_space<vmem>>) target_semaphore(%run_scoped3A : memref<!tpu.dma_semaphore, #tpu.memory_space<semaphore_mem>>)
      %dma_wait3A_51 = tpu.memref_slice %arg3[%add3A_32] : memref<51200xi32, #tpu.memory_space<hbm>> -> memref<400xi32, #tpu.memory_space<hbm>>
      %dma_wait3A_52 = tpu.memref_slice %arg3[%add3A_32] : memref<51200xi32, #tpu.memory_space<hbm>> -> memref<400xi32, #tpu.memory_space<hbm>>
      tpu.wait_dma2 semaphore(%run_scoped3A : memref<!tpu.dma_semaphore, #tpu.memory_space<semaphore_mem>>) src(%dma_wait3A_52 : memref<400xi32, #tpu.memory_space<hbm>>) dst(%arg10 : memref<400xi32, #tpu.memory_space<vmem>>)
      tpu.yield
    }) : () -> ()
    %dma_start3A_33 = arith.constant 0 : i32
    %dma_start3A_34 = arith.constant 0 : i32
    %dma_start3A_35 = tpu.memref_slice %arg2[%dma_start3A_33, %dma_start3A_34] : memref<100000x128xf32, #tpu.memory_space<hbm>> -> memref<100000x128xf32, #tpu.memory_space<hbm>>
    tpu.enqueue_indirect_dma source(%dma_start3A_35 : memref<100000x128xf32, #tpu.memory_space<hbm>>) target(%arg11 : memref<400x128xf32, #tpu.memory_space<vmem>>) offsets(%arg10 : memref<400xi32, #tpu.memory_space<vmem>>) semaphore(%arg14 : memref<!tpu.dma_semaphore, #tpu.memory_space<semaphore_mem>>)
    %dma_wait3A_36 = arith.constant 0 : i32
    %dma_wait3A_37 = arith.constant 0 : i32
    %dma_wait3A_38 = tpu.memref_slice %arg2[%dma_wait3A_36, %dma_wait3A_37] : memref<100000x128xf32, #tpu.memory_space<hbm>> -> memref<100000x128xf32, #tpu.memory_space<hbm>>
    tpu.wait_indirect_dma semaphore(%arg14 : memref<!tpu.dma_semaphore, #tpu.memory_space<semaphore_mem>>) src(%dma_wait3A_38 : memref<100000x128xf32, #tpu.memory_space<hbm>>) dst(%arg11 : memref<400x128xf32, #tpu.memory_space<vmem>>)
    %add3A_39 = arith.constant 1200 : i32
    %add3A_40 = arith.addi %mul3A_2, %add3A_39 : i32
    "tpu.region"() ({
      %run_scoped3A = tpu.sem_alloc : memref<!tpu.dma_semaphore, #tpu.memory_space<semaphore_mem>>
      %dma_start3A_49 = arith.constant 0 : i32
      %dma_start3A_50 = tpu.memref_slice %arg5[%add3A_40, %dma_start3A_49] : memref<51200x128xf32, #tpu.memory_space<hbm>> -> memref<400x128xf32, #tpu.memory_space<hbm>>
      %dma_start3A_51 = arith.constant 0 : i32
      %dma_start3A_52 = tpu.memref_slice %arg5[%add3A_40, %dma_start3A_51] : memref<51200x128xf32, #tpu.memory_space<hbm>> -> memref<400x128xf32, #tpu.memory_space<hbm>>
      tpu.enqueue_dma source(%arg11 : memref<400x128xf32, #tpu.memory_space<vmem>>) target(%dma_start3A_52 : memref<400x128xf32, #tpu.memory_space<hbm>>) target_semaphore(%run_scoped3A : memref<!tpu.dma_semaphore, #tpu.memory_space<semaphore_mem>>)
      %dma_wait3A_53 = arith.constant 0 : i32
      %dma_wait3A_54 = tpu.memref_slice %arg5[%add3A_40, %dma_wait3A_53] : memref<51200x128xf32, #tpu.memory_space<hbm>> -> memref<400x128xf32, #tpu.memory_space<hbm>>
      %dma_wait3A_55 = arith.constant 0 : i32
      %dma_wait3A_56 = tpu.memref_slice %arg5[%add3A_40, %dma_wait3A_55] : memref<51200x128xf32, #tpu.memory_space<hbm>> -> memref<400x128xf32, #tpu.memory_space<hbm>>
      tpu.wait_dma2 semaphore(%run_scoped3A : memref<!tpu.dma_semaphore, #tpu.memory_space<semaphore_mem>>) src(%arg11 : memref<400x128xf32, #tpu.memory_space<vmem>>) dst(%dma_wait3A_56 : memref<400x128xf32, #tpu.memory_space<hbm>>)
      tpu.yield
    }) : () -> ()
    %mul3A_41 = arith.constant 128 : i32
    %mul3A_42 = arith.muli %add3A, %mul3A_41 : i32
    "tpu.region"() ({
      %run_scoped3A = tpu.sem_alloc : memref<!tpu.dma_semaphore, #tpu.memory_space<semaphore_mem>>
      %dma_start3A_49 = tpu.memref_slice %arg4[%mul3A_42] : memref<4096xi32, #tpu.memory_space<hbm>> -> memref<128xi32, #tpu.memory_space<hbm>>
      %dma_start3A_50 = tpu.memref_slice %arg4[%mul3A_42] : memref<4096xi32, #tpu.memory_space<hbm>> -> memref<128xi32, #tpu.memory_space<hbm>>
      tpu.enqueue_dma source(%dma_start3A_50 : memref<128xi32, #tpu.memory_space<hbm>>) target(%arg12 : memref<128xi32, #tpu.memory_space<vmem>>) target_semaphore(%run_scoped3A : memref<!tpu.dma_semaphore, #tpu.memory_space<semaphore_mem>>)
      %dma_wait3A_51 = tpu.memref_slice %arg4[%mul3A_42] : memref<4096xi32, #tpu.memory_space<hbm>> -> memref<128xi32, #tpu.memory_space<hbm>>
      %dma_wait3A_52 = tpu.memref_slice %arg4[%mul3A_42] : memref<4096xi32, #tpu.memory_space<hbm>> -> memref<128xi32, #tpu.memory_space<hbm>>
      tpu.wait_dma2 semaphore(%run_scoped3A : memref<!tpu.dma_semaphore, #tpu.memory_space<semaphore_mem>>) src(%dma_wait3A_52 : memref<128xi32, #tpu.memory_space<hbm>>) dst(%arg12 : memref<128xi32, #tpu.memory_space<vmem>>)
      tpu.yield
    }) : () -> ()
    %dma_start3A_43 = arith.constant 0 : i32
    %dma_start3A_44 = arith.constant 0 : i32
    %dma_start3A_45 = tpu.memref_slice %arg2[%dma_start3A_43, %dma_start3A_44] : memref<100000x128xf32, #tpu.memory_space<hbm>> -> memref<100000x128xf32, #tpu.memory_space<hbm>>
    tpu.enqueue_indirect_dma source(%dma_start3A_45 : memref<100000x128xf32, #tpu.memory_space<hbm>>) target(%arg13 : memref<128x128xf32, #tpu.memory_space<vmem>>) offsets(%arg12 : memref<128xi32, #tpu.memory_space<vmem>>) semaphore(%arg14 : memref<!tpu.dma_semaphore, #tpu.memory_space<semaphore_mem>>)
    %dma_wait3A_46 = arith.constant 0 : i32
    %dma_wait3A_47 = arith.constant 0 : i32
    %dma_wait3A_48 = tpu.memref_slice %arg2[%dma_wait3A_46, %dma_wait3A_47] : memref<100000x128xf32, #tpu.memory_space<hbm>> -> memref<100000x128xf32, #tpu.memory_space<hbm>>
    tpu.wait_indirect_dma semaphore(%arg14 : memref<!tpu.dma_semaphore, #tpu.memory_space<semaphore_mem>>) src(%dma_wait3A_48 : memref<100000x128xf32, #tpu.memory_space<hbm>>) dst(%arg13 : memref<128x128xf32, #tpu.memory_space<vmem>>)
    "tpu.region"() ({
      %run_scoped3A = tpu.sem_alloc : memref<!tpu.dma_semaphore, #tpu.memory_space<semaphore_mem>>
      %dma_start3A_49 = arith.constant 0 : i32
      %dma_start3A_50 = tpu.memref_slice %arg6[%mul3A_42, %dma_start3A_49] : memref<4096x128xf32, #tpu.memory_space<hbm>> -> memref<128x128xf32, #tpu.memory_space<hbm>>
      %dma_start3A_51 = arith.constant 0 : i32
      %dma_start3A_52 = tpu.memref_slice %arg6[%mul3A_42, %dma_start3A_51] : memref<4096x128xf32, #tpu.memory_space<hbm>> -> memref<128x128xf32, #tpu.memory_space<hbm>>
      tpu.enqueue_dma source(%arg13 : memref<128x128xf32, #tpu.memory_space<vmem>>) target(%dma_start3A_52 : memref<128x128xf32, #tpu.memory_space<hbm>>) target_semaphore(%run_scoped3A : memref<!tpu.dma_semaphore, #tpu.memory_space<semaphore_mem>>)
      %dma_wait3A_53 = arith.constant 0 : i32
      %dma_wait3A_54 = tpu.memref_slice %arg6[%mul3A_42, %dma_wait3A_53] : memref<4096x128xf32, #tpu.memory_space<hbm>> -> memref<128x128xf32, #tpu.memory_space<hbm>>
      %dma_wait3A_55 = arith.constant 0 : i32
      %dma_wait3A_56 = tpu.memref_slice %arg6[%mul3A_42, %dma_wait3A_55] : memref<4096x128xf32, #tpu.memory_space<hbm>> -> memref<128x128xf32, #tpu.memory_space<hbm>>
      tpu.wait_dma2 semaphore(%run_scoped3A : memref<!tpu.dma_semaphore, #tpu.memory_space<semaphore_mem>>) src(%arg13 : memref<128x128xf32, #tpu.memory_space<vmem>>) dst(%dma_wait3A_56 : memref<128x128xf32, #tpu.memory_space<hbm>>)
      tpu.yield
    }) : () -> ()
    return
  }
}

module attributes {stable_mosaic.version = 14 : i64} {
  func.func @_prep_body(%arg0: memref<4096x20xf32, #tpu.memory_space<vmem>>, %arg1: memref<1x20xf32, #tpu.memory_space<vmem>>, %arg2: memref<20x40xf32, #tpu.memory_space<vmem>>, %arg3: memref<20x40xf32, #tpu.memory_space<vmem>>, %arg4: memref<1x40xf32, #tpu.memory_space<vmem>>, %arg5: memref<40x20xf32, #tpu.memory_space<vmem>>, %arg6: memref<1x20xf32, #tpu.memory_space<vmem>>, %arg7: memref<4096x20xf32, #tpu.memory_space<vmem>>) attributes {dimension_semantics = [], scalar_prefetch = 0 : i64, scratch_operands = 0 : i64, tpu.core_type = #tpu.core_type<tc>} {
    %get3A = arith.constant 0 : index
    %get3A_0 = arith.constant 0 : index
    %get3A_1 = vector.load %arg0[%get3A, %get3A_0] : memref<4096x20xf32, #tpu.memory_space<vmem>>, vector<4096x20xf32>
    %get3A_2 = arith.constant 0 : index
    %get3A_3 = arith.constant 0 : index
    %get3A_4 = vector.load %arg2[%get3A_2, %get3A_3] : memref<20x40xf32, #tpu.memory_space<vmem>>, vector<20x40xf32>
    %convert_element_type3A = arith.truncf %get3A_1 : vector<4096x20xf32> to vector<4096x20xbf16>
    %convert_element_type3A_5 = arith.truncf %get3A_4 : vector<20x40xf32> to vector<20x40xbf16>
    %dot_general3A = arith.constant dense<0.000000e+00> : vector<4096x40xf32>
    %dot_general3A_6 = tpu.matmul %convert_element_type3A, %convert_element_type3A_5, %dot_general3A {dimension_numbers = #tpu.dot_dimension_numbers<[1], [0], [0], [1], [0, 0, 1, 1], [], []>, transpose_lhs_hint = false} : vector<4096x20xbf16>, vector<20x40xbf16>, vector<4096x40xf32> -> vector<4096x40xf32>
    %get3A_7 = arith.constant 0 : index
    %get3A_8 = arith.constant 0 : index
    %get3A_9 = vector.load %arg1[%get3A_7, %get3A_8] : memref<1x20xf32, #tpu.memory_space<vmem>>, vector<1x20xf32>
    %get3A_10 = arith.constant 0 : index
    %get3A_11 = arith.constant 0 : index
    %get3A_12 = vector.load %arg3[%get3A_10, %get3A_11] : memref<20x40xf32, #tpu.memory_space<vmem>>, vector<20x40xf32>
    %convert_element_type3A_13 = arith.truncf %get3A_9 : vector<1x20xf32> to vector<1x20xbf16>
    %convert_element_type3A_14 = arith.truncf %get3A_12 : vector<20x40xf32> to vector<20x40xbf16>
    %dot_general3A_15 = arith.constant dense<0.000000e+00> : vector<1x40xf32>
    %dot_general3A_16 = tpu.matmul %convert_element_type3A_13, %convert_element_type3A_14, %dot_general3A_15 {dimension_numbers = #tpu.dot_dimension_numbers<[1], [0], [0], [1], [0, 0, 1, 1], [], []>, transpose_lhs_hint = false} : vector<1x20xbf16>, vector<20x40xbf16>, vector<1x40xf32> -> vector<1x40xf32>
    %add3A = vector.broadcast %dot_general3A_16 : vector<1x40xf32> to vector<4096x40xf32>
    %add3A_17 = arith.addf %dot_general3A_6, %add3A : vector<4096x40xf32>
    %get3A_18 = arith.constant 0 : index
    %get3A_19 = arith.constant 0 : index
    %get3A_20 = vector.load %arg4[%get3A_18, %get3A_19] : memref<1x40xf32, #tpu.memory_space<vmem>>, vector<1x40xf32>
    %add3A_21 = vector.broadcast %get3A_20 : vector<1x40xf32> to vector<4096x40xf32>
    %add3A_22 = arith.addf %add3A_17, %add3A_21 : vector<4096x40xf32>
    %max3A = arith.constant 0.000000e+00 : f32
    %max3A_23 = vector.broadcast %max3A : f32 to vector<4096x40xf32>
    %max3A_24 = arith.maximumf %add3A_22, %max3A_23 : vector<4096x40xf32>
    %get3A_25 = arith.constant 0 : index
    %get3A_26 = arith.constant 0 : index
    %get3A_27 = vector.load %arg5[%get3A_25, %get3A_26] : memref<40x20xf32, #tpu.memory_space<vmem>>, vector<40x20xf32>
    %convert_element_type3A_28 = arith.truncf %max3A_24 : vector<4096x40xf32> to vector<4096x40xbf16>
    %convert_element_type3A_29 = arith.truncf %get3A_27 : vector<40x20xf32> to vector<40x20xbf16>
    %dot_general3A_30 = arith.constant dense<0.000000e+00> : vector<4096x20xf32>
    %dot_general3A_31 = tpu.matmul %convert_element_type3A_28, %convert_element_type3A_29, %dot_general3A_30 {dimension_numbers = #tpu.dot_dimension_numbers<[1], [0], [0], [1], [0, 0, 1, 1], [], []>, transpose_lhs_hint = false} : vector<4096x40xbf16>, vector<40x20xbf16>, vector<4096x20xf32> -> vector<4096x20xf32>
    %get3A_32 = arith.constant 0 : index
    %get3A_33 = arith.constant 0 : index
    %get3A_34 = vector.load %arg6[%get3A_32, %get3A_33] : memref<1x20xf32, #tpu.memory_space<vmem>>, vector<1x20xf32>
    %add3A_35 = vector.broadcast %get3A_34 : vector<1x20xf32> to vector<4096x20xf32>
    %add3A_36 = arith.addf %dot_general3A_31, %add3A_35 : vector<4096x20xf32>
    %swap3A = arith.constant 0 : index
    %swap3A_37 = arith.constant 0 : index
    %swap3A_38 = vector.load %arg7[%swap3A, %swap3A_37] : memref<4096x20xf32, #tpu.memory_space<vmem>>, vector<4096x20xf32>
    tpu.vector_store %arg7[%swap3A, %swap3A_37], %add3A_36 {strides = array<i32>} : memref<4096x20xf32, #tpu.memory_space<vmem>>, vector<4096x20xf32>,
    return
  }
}

module attributes {stable_mosaic.version = 14 : i64} {
  func.func @_main_body(%arg0: i32, %arg1: memref<1024x128xf32, #tpu.memory_space<vmem>>, %arg2: memref<1024x128xf32, #tpu.memory_space<vmem>>, %arg3: memref<1024x128xf32, #tpu.memory_space<vmem>>, %arg4: memref<1024x128xf32, #tpu.memory_space<vmem>>, %arg5: memref<1024x128xf32, #tpu.memory_space<vmem>>, %arg6: memref<1024x1xi32, #tpu.memory_space<vmem>>, %arg7: memref<1280x64xf32, #tpu.memory_space<vmem>>, %arg8: memref<1280x64xf32, #tpu.memory_space<vmem>>, %arg9: memref<20x40xf32, #tpu.memory_space<vmem>>, %arg10: memref<20x40xf32, #tpu.memory_space<vmem>>, %arg11: memref<20x40xf32, #tpu.memory_space<vmem>>, %arg12: memref<20x40xf32, #tpu.memory_space<vmem>>, %arg13: memref<20x40xf32, #tpu.memory_space<vmem>>, %arg14: memref<1x40xf32, #tpu.memory_space<vmem>>, %arg15: memref<40x20xf32, #tpu.memory_space<vmem>>, %arg16: memref<1x20xf32, #tpu.memory_space<vmem>>, %arg17: memref<20x40xf32, #tpu.memory_space<vmem>>, %arg18: memref<20x40xf32, #tpu.memory_space<vmem>>, %arg19: memref<1x40xf32, #tpu.memory_space<vmem>>, %arg20: memref<40x20xf32, #tpu.memory_space<vmem>>, %arg21: memref<1x20xf32, #tpu.memory_space<vmem>>, %arg22: memref<4x20xf32, #tpu.memory_space<vmem>>, %arg23: memref<20x1024xf32, #tpu.memory_space<vmem>>) attributes {dimension_semantics = [#tpu.dimension_semantics<arbitrary>], iteration_bounds = array<i64: 50>, scalar_prefetch = 0 : i64, scratch_operands = 0 : i64, tpu.core_type = #tpu.core_type<tc>, window_params = [{transform_indices = @transform_0, window_bounds = array<i64: 1024, 128>}, {transform_indices = @transform_1, window_bounds = array<i64: 1024, 128>}, {transform_indices = @transform_2, window_bounds = array<i64: 1024, 128>}, {transform_indices = @transform_3, window_bounds = array<i64: 1024, 128>}, {transform_indices = @transform_4, window_bounds = array<i64: 1024, 128>}, {transform_indices = @transform_5, window_bounds = array<i64: 1024, 1>}, {pipeline_mode = #tpu.pipeline_mode<synchronous>, transform_indices = @transform_6, window_bounds = array<i64: 1280, 64>}, {pipeline_mode = #tpu.pipeline_mode<synchronous>, transform_indices = @transform_7, window_bounds = array<i64: 1280, 64>}, {pipeline_mode = #tpu.pipeline_mode<synchronous>, transform_indices = @transform_8, window_bounds = array<i64: 20, 40>}, {pipeline_mode = #tpu.pipeline_mode<synchronous>, transform_indices = @transform_9, window_bounds = array<i64: 20, 40>}, {pipeline_mode = #tpu.pipeline_mode<synchronous>, transform_indices = @transform_10, window_bounds = array<i64: 20, 40>}, {pipeline_mode = #tpu.pipeline_mode<synchronous>, transform_indices = @transform_11, window_bounds = array<i64: 20, 40>}, {pipeline_mode = #tpu.pipeline_mode<synchronous>, transform_indices = @transform_12, window_bounds = array<i64: 20, 40>}, {pipeline_mode = #tpu.pipeline_mode<synchronous>, transform_indices = @transform_13, window_bounds = array<i64: 1, 40>}, {pipeline_mode = #tpu.pipeline_mode<synchronous>, transform_indices = @transform_14, window_bounds = array<i64: 40, 20>}, {pipeline_mode = #tpu.pipeline_mode<synchronous>, transform_indices = @transform_15, window_bounds = array<i64: 1, 20>}, {pipeline_mode = #tpu.pipeline_mode<synchronous>, transform_indices = @transform_16, window_bounds = array<i64: 20, 40>}, {pipeline_mode = #tpu.pipeline_mode<synchronous>, transform_indices = @transform_17, window_bounds = array<i64: 20, 40>}, {pipeline_mode = #tpu.pipeline_mode<synchronous>, transform_indices = @transform_18, window_bounds = array<i64: 1, 40>}, {pipeline_mode = #tpu.pipeline_mode<synchronous>, transform_indices = @transform_19, window_bounds = array<i64: 40, 20>}, {pipeline_mode = #tpu.pipeline_mode<synchronous>, transform_indices = @transform_20, window_bounds = array<i64: 1, 20>}, {pipeline_mode = #tpu.pipeline_mode<synchronous>, transform_indices = @transform_21, window_bounds = array<i64: 4, 20>}, {transform_indices = @transform_22, window_bounds = array<i64: 20, 1024>}]} {
    %get3A = arith.constant 0 : index
    %get3A_0 = arith.constant 0 : index
    %get3A_1 = vector.load %arg5[%get3A, %get3A_0] : memref<1024x128xf32, #tpu.memory_space<vmem>>, vector<1024x128xf32>
    %slice3A = vector.extract_strided_slice %get3A_1 {offsets = [0, 0], sizes = [1024, 20], strides = [1, 1]} : vector<1024x128xf32> to vector<1024x20xf32>
    %slice3A_2 = vector.extract_strided_slice %get3A_1 {offsets = [0, 20], sizes = [1024, 1], strides = [1, 1]} : vector<1024x128xf32> to vector<1024x1xf32>
    %convert_element_type3A = arith.fptosi %slice3A_2 : vector<1024x1xf32> to vector<1024x1xi32>
    %get3A_3 = arith.constant 0 : index
    %get3A_4 = arith.constant 0 : index
    %get3A_5 = vector.load %arg1[%get3A_3, %get3A_4] : memref<1024x128xf32, #tpu.memory_space<vmem>>, vector<1024x20xf32>
    %get3A_6 = arith.constant 0 : index
    %get3A_7 = arith.constant 0 : index
    %get3A_8 = vector.load %arg9[%get3A_6, %get3A_7] : memref<20x40xf32, #tpu.memory_space<vmem>>, vector<20x40xf32>
    %convert_element_type3A_9 = arith.truncf %get3A_5 : vector<1024x20xf32> to vector<1024x20xbf16>
    %convert_element_type3A_10 = arith.truncf %get3A_8 : vector<20x40xf32> to vector<20x40xbf16>
    %dot_general3A = arith.constant dense<0.000000e+00> : vector<1024x40xf32>
    %dot_general3A_11 = tpu.matmul %convert_element_type3A_9, %convert_element_type3A_10, %dot_general3A {dimension_numbers = #tpu.dot_dimension_numbers<[1], [0], [0], [1], [0, 0, 1, 1], [], []>, transpose_lhs_hint = false} : vector<1024x20xbf16>, vector<20x40xbf16>, vector<1024x40xf32> -> vector<1024x40xf32>
    %get3A_12 = arith.constant 0 : index
    %get3A_13 = arith.constant 0 : index
    %get3A_14 = vector.load %arg2[%get3A_12, %get3A_13] : memref<1024x128xf32, #tpu.memory_space<vmem>>, vector<1024x20xf32>
    %get3A_15 = arith.constant 0 : index
    %get3A_16 = arith.constant 0 : index
    %get3A_17 = vector.load %arg10[%get3A_15, %get3A_16] : memref<20x40xf32, #tpu.memory_space<vmem>>, vector<20x40xf32>
    %convert_element_type3A_18 = arith.truncf %get3A_14 : vector<1024x20xf32> to vector<1024x20xbf16>
    %convert_element_type3A_19 = arith.truncf %get3A_17 : vector<20x40xf32> to vector<20x40xbf16>
    %dot_general3A_20 = arith.constant dense<0.000000e+00> : vector<1024x40xf32>
    %dot_general3A_21 = tpu.matmul %convert_element_type3A_18, %convert_element_type3A_19, %dot_general3A_20 {dimension_numbers = #tpu.dot_dimension_numbers<[1], [0], [0], [1], [0, 0, 1, 1], [], []>, transpose_lhs_hint = false} : vector<1024x20xbf16>, vector<20x40xbf16>, vector<1024x40xf32> -> vector<1024x40xf32>
    %add3A = arith.addf %dot_general3A_11, %dot_general3A_21 : vector<1024x40xf32>
    %get3A_22 = arith.constant 0 : index
    %get3A_23 = arith.constant 0 : index
    %get3A_24 = vector.load %arg3[%get3A_22, %get3A_23] : memref<1024x128xf32, #tpu.memory_space<vmem>>, vector<1024x20xf32>
    %get3A_25 = arith.constant 0 : index
    %get3A_26 = arith.constant 0 : index
    %get3A_27 = vector.load %arg11[%get3A_25, %get3A_26] : memref<20x40xf32, #tpu.memory_space<vmem>>, vector<20x40xf32>
    %convert_element_type3A_28 = arith.truncf %get3A_24 : vector<1024x20xf32> to vector<1024x20xbf16>
    %convert_element_type3A_29 = arith.truncf %get3A_27 : vector<20x40xf32> to vector<20x40xbf16>
    %dot_general3A_30 = arith.constant dense<0.000000e+00> : vector<1024x40xf32>
    %dot_general3A_31 = tpu.matmul %convert_element_type3A_28, %convert_element_type3A_29, %dot_general3A_30 {dimension_numbers = #tpu.dot_dimension_numbers<[1], [0], [0], [1], [0, 0, 1, 1], [], []>, transpose_lhs_hint = false} : vector<1024x20xbf16>, vector<20x40xbf16>, vector<1024x40xf32> -> vector<1024x40xf32>
    %add3A_32 = arith.addf %add3A, %dot_general3A_31 : vector<1024x40xf32>
    %get3A_33 = arith.constant 0 : index
    %get3A_34 = arith.constant 0 : index
    %get3A_35 = vector.load %arg4[%get3A_33, %get3A_34] : memref<1024x128xf32, #tpu.memory_space<vmem>>, vector<1024x20xf32>
    %get3A_36 = arith.constant 0 : index
    %get3A_37 = arith.constant 0 : index
    %get3A_38 = vector.load %arg12[%get3A_36, %get3A_37] : memref<20x40xf32, #tpu.memory_space<vmem>>, vector<20x40xf32>
    %convert_element_type3A_39 = arith.truncf %get3A_35 : vector<1024x20xf32> to vector<1024x20xbf16>
    %convert_element_type3A_40 = arith.truncf %get3A_38 : vector<20x40xf32> to vector<20x40xbf16>
    %dot_general3A_41 = arith.constant dense<0.000000e+00> : vector<1024x40xf32>
    %dot_general3A_42 = tpu.matmul %convert_element_type3A_39, %convert_element_type3A_40, %dot_general3A_41 {dimension_numbers = #tpu.dot_dimension_numbers<[1], [0], [0], [1], [0, 0, 1, 1], [], []>, transpose_lhs_hint = false} : vector<1024x20xbf16>, vector<20x40xbf16>, vector<1024x40xf32> -> vector<1024x40xf32>
    %add3A_43 = arith.addf %add3A_32, %dot_general3A_42 : vector<1024x40xf32>
    %get3A_44 = arith.constant 0 : index
    %get3A_45 = arith.constant 0 : index
    %get3A_46 = vector.load %arg13[%get3A_44, %get3A_45] : memref<20x40xf32, #tpu.memory_space<vmem>>, vector<20x40xf32>
    %convert_element_type3A_47 = arith.truncf %slice3A : vector<1024x20xf32> to vector<1024x20xbf16>
    %convert_element_type3A_48 = arith.truncf %get3A_46 : vector<20x40xf32> to vector<20x40xbf16>
    %dot_general3A_49 = arith.constant dense<0.000000e+00> : vector<1024x40xf32>
    %dot_general3A_50 = tpu.matmul %convert_element_type3A_47, %convert_element_type3A_48, %dot_general3A_49 {dimension_numbers = #tpu.dot_dimension_numbers<[1], [0], [0], [1], [0, 0, 1, 1], [], []>, transpose_lhs_hint = false} : vector<1024x20xbf16>, vector<20x40xbf16>, vector<1024x40xf32> -> vector<1024x40xf32>
    %add3A_51 = arith.addf %add3A_43, %dot_general3A_50 : vector<1024x40xf32>
    %get3A_52 = arith.constant 0 : index
    %get3A_53 = arith.constant 0 : index
    %get3A_54 = vector.load %arg14[%get3A_52, %get3A_53] : memref<1x40xf32, #tpu.memory_space<vmem>>, vector<1x40xf32>
    %add3A_55 = vector.broadcast %get3A_54 : vector<1x40xf32> to vector<1024x40xf32>
    %add3A_56 = arith.addf %add3A_51, %add3A_55 : vector<1024x40xf32>
    %max3A = arith.constant 0.000000e+00 : f32
    %max3A_57 = vector.broadcast %max3A : f32 to vector<1024x40xf32>
    %max3A_58 = arith.maximumf %add3A_56, %max3A_57 : vector<1024x40xf32>
    %get3A_59 = arith.constant 0 : index
    %get3A_60 = arith.constant 0 : index
    %get3A_61 = vector.load %arg15[%get3A_59, %get3A_60] : memref<40x20xf32, #tpu.memory_space<vmem>>, vector<40x20xf32>
    %convert_element_type3A_62 = arith.truncf %max3A_58 : vector<1024x40xf32> to vector<1024x40xbf16>
    %convert_element_type3A_63 = arith.truncf %get3A_61 : vector<40x20xf32> to vector<40x20xbf16>
    %dot_general3A_64 = arith.constant dense<0.000000e+00> : vector<1024x20xf32>
    %dot_general3A_65 = tpu.matmul %convert_element_type3A_62, %convert_element_type3A_63, %dot_general3A_64 {dimension_numbers = #tpu.dot_dimension_numbers<[1], [0], [0], [1], [0, 0, 1, 1], [], []>, transpose_lhs_hint = false} : vector<1024x40xbf16>, vector<40x20xbf16>, vector<1024x20xf32> -> vector<1024x20xf32>
    %get3A_66 = arith.constant 0 : index
    %get3A_67 = arith.constant 0 : index
    %get3A_68 = vector.load %arg16[%get3A_66, %get3A_67] : memref<1x20xf32, #tpu.memory_space<vmem>>, vector<1x20xf32>
    %add3A_69 = vector.broadcast %get3A_68 : vector<1x20xf32> to vector<1024x20xf32>
    %add3A_70 = arith.addf %dot_general3A_65, %add3A_69 : vector<1024x20xf32>
    %get3A_71 = arith.constant 0 : index
    %get3A_72 = arith.constant 0 : index
    %get3A_73 = vector.load %arg6[%get3A_71, %get3A_72] : memref<1024x1xi32, #tpu.memory_space<vmem>>, vector<1024x1xi32>
    %jit3A = arith.constant 24 : i32
    %eq3A = arith.constant 0 : i32
    %eq3A_74 = arith.cmpi eq, %jit3A, %eq3A : i32
    %jit3A_75 = arith.constant 1 : i32
    %select_n3A = arith.select %eq3A_74, %jit3A_75, %jit3A : i32
    %rem3A = vector.broadcast %select_n3A : i32 to vector<1024x1xi32>
    %rem3A_76 = arith.remsi %get3A_73, %rem3A : vector<1024x1xi32>
    %ne3A = arith.constant 0 : i32
    %ne3A_77 = vector.broadcast %ne3A : i32 to vector<1024x1xi32>
    %ne3A_78 = arith.cmpi ne, %rem3A_76, %ne3A_77 : vector<1024x1xi32>
    %lt3A = arith.constant 0 : i32
    %lt3A_79 = vector.broadcast %lt3A : i32 to vector<1024x1xi32>
    %lt3A_80 = arith.cmpi slt, %rem3A_76, %lt3A_79 : vector<1024x1xi32>
    %lt3A_81 = arith.constant 0 : i32
    %lt3A_82 = arith.cmpi slt, %select_n3A, %lt3A_81 : i32
    %ne3A_83 = vector.broadcast %lt3A_82 : i1 to vector<1024x1xi1>
    %ne3A_84 = vector.broadcast %ne3A_83 : vector<1024x1xi1> to vector<1024x1xi1>
    %ne3A_85 = arith.xori %lt3A_80, %ne3A_84 : vector<1024x1xi1>
    %and3A = arith.andi %ne3A_85, %ne3A_78 : vector<1024x1xi1>
    %add3A_86 = vector.broadcast %select_n3A : i32 to vector<1024x1xi32>
    %add3A_87 = arith.addi %rem3A_76, %add3A_86 : vector<1024x1xi32>
    %select_n3A_88 = arith.select %and3A, %add3A_87, %rem3A_76 : vector<1024x1xi1>, vector<1024x1xi32>
    %ge3A = arith.constant 22 : i32
    %ge3A_89 = vector.broadcast %ge3A : i32 to vector<1024x1xi32>
    %ge3A_90 = arith.cmpi sge, %select_n3A_88, %ge3A_89 : vector<1024x1xi32>
    %lt3A_91 = arith.constant 6 : i32
    %lt3A_92 = vector.broadcast %lt3A_91 : i32 to vector<1024x1xi32>
    %lt3A_93 = arith.cmpi slt, %select_n3A_88, %lt3A_92 : vector<1024x1xi32>
    %or3A = arith.ori %ge3A_90, %lt3A_93 : vector<1024x1xi1>
    %ge3A_94 = arith.constant 6 : i32
    %ge3A_95 = vector.broadcast %ge3A_94 : i32 to vector<1024x1xi32>
    %ge3A_96 = arith.cmpi sge, %select_n3A_88, %ge3A_95 : vector<1024x1xi32>
    %lt3A_97 = arith.constant 14 : i32
    %lt3A_98 = vector.broadcast %lt3A_97 : i32 to vector<1024x1xi32>
    %lt3A_99 = arith.cmpi slt, %select_n3A_88, %lt3A_98 : vector<1024x1xi32>
    %and3A_100 = arith.andi %ge3A_96, %lt3A_99 : vector<1024x1xi1>
    %jit3A_101 = arith.constant 1 : i32
    %jit3A_102 = arith.constant 2 : i32
    %broadcast_in_dim3A = vector.broadcast %jit3A_101 : i32 to vector<1024x1xi32>
    %broadcast_in_dim3A_103 = vector.broadcast %jit3A_102 : i32 to vector<1024x1xi32>
    %select_n3A_104 = arith.select %and3A_100, %broadcast_in_dim3A, %broadcast_in_dim3A_103 : vector<1024x1xi1>, vector<1024x1xi32>
    %jit3A_105 = arith.constant 0 : i32
    %broadcast_in_dim3A_106 = vector.broadcast %jit3A_105 : i32 to vector<1024x1xi32>
    %select_n3A_107 = arith.select %or3A, %broadcast_in_dim3A_106, %select_n3A_104 : vector<1024x1xi1>, vector<1024x1xi32>
    %iota3A = tpu.iota {dimensions = array<i32: 1>} : vector<1024x4xi32>
    %eq3A_108 = vector.broadcast %select_n3A_107 : vector<1024x1xi32> to vector<1024x4xi32>
    %eq3A_109 = arith.cmpi eq, %iota3A, %eq3A_108 : vector<1024x4xi32>
    %convert_element_type3A_110 = arith.extui %eq3A_109 : vector<1024x4xi1> to vector<1024x4xi32>
    %convert_element_type3A_111 = arith.sitofp %convert_element_type3A_110 : vector<1024x4xi32> to vector<1024x4xf32>
    %get3A_112 = arith.constant 0 : index
    %get3A_113 = arith.constant 0 : index
    %get3A_114 = vector.load %arg22[%get3A_112, %get3A_113] : memref<4x20xf32, #tpu.memory_space<vmem>>, vector<4x20xf32>
    %dot_general3A_115 = arith.constant dense<0.000000e+00> : vector<1024x20xf32>
    %dot_general3A_116 = tpu.matmul %convert_element_type3A_111, %get3A_114, %dot_general3A_115 {dimension_numbers = #tpu.dot_dimension_numbers<[1], [0], [0], [1], [0, 0, 1, 1], [], []>, precision = #tpu.contract_precision<fp32>, transpose_lhs_hint = false} : vector<1024x4xf32>, vector<4x20xf32>, vector<1024x20xf32> -> vector<1024x20xf32>
    %get3A_117 = arith.constant 0 : index
    %get3A_118 = arith.constant 0 : index
    %get3A_119 = vector.load %arg17[%get3A_117, %get3A_118] : memref<20x40xf32, #tpu.memory_space<vmem>>, vector<20x40xf32>
    %convert_element_type3A_120 = arith.truncf %slice3A : vector<1024x20xf32> to vector<1024x20xbf16>
    %convert_element_type3A_121 = arith.truncf %get3A_119 : vector<20x40xf32> to vector<20x40xbf16>
    %dot_general3A_122 = arith.constant dense<0.000000e+00> : vector<1024x40xf32>
    %dot_general3A_123 = tpu.matmul %convert_element_type3A_120, %convert_element_type3A_121, %dot_general3A_122 {dimension_numbers = #tpu.dot_dimension_numbers<[1], [0], [0], [1], [0, 0, 1, 1], [], []>, transpose_lhs_hint = false} : vector<1024x20xbf16>, vector<20x40xbf16>, vector<1024x40xf32> -> vector<1024x40xf32>
    %get3A_124 = arith.constant 0 : index
    %get3A_125 = arith.constant 0 : index
    %get3A_126 = vector.load %arg18[%get3A_124, %get3A_125] : memref<20x40xf32, #tpu.memory_space<vmem>>, vector<20x40xf32>
    %convert_element_type3A_127 = arith.truncf %dot_general3A_116 : vector<1024x20xf32> to vector<1024x20xbf16>
    %convert_element_type3A_128 = arith.truncf %get3A_126 : vector<20x40xf32> to vector<20x40xbf16>
    %dot_general3A_129 = arith.constant dense<0.000000e+00> : vector<1024x40xf32>
    %dot_general3A_130 = tpu.matmul %convert_element_type3A_127, %convert_element_type3A_128, %dot_general3A_129 {dimension_numbers = #tpu.dot_dimension_numbers<[1], [0], [0], [1], [0, 0, 1, 1], [], []>, transpose_lhs_hint = false} : vector<1024x20xbf16>, vector<20x40xbf16>, vector<1024x40xf32> -> vector<1024x40xf32>
    %add3A_131 = arith.addf %dot_general3A_123, %dot_general3A_130 : vector<1024x40xf32>
    %get3A_132 = arith.constant 0 : index
    %get3A_133 = arith.constant 0 : index
    %get3A_134 = vector.load %arg19[%get3A_132, %get3A_133] : memref<1x40xf32, #tpu.memory_space<vmem>>, vector<1x40xf32>
    %add3A_135 = vector.broadcast %get3A_134 : vector<1x40xf32> to vector<1024x40xf32>
    %add3A_136 = arith.addf %add3A_131, %add3A_135 : vector<1024x40xf32>
    %max3A_137 = arith.constant 0.000000e+00 : f32
    %max3A_138 = vector.broadcast %max3A_137 : f32 to vector<1024x40xf32>
    %max3A_139 = arith.maximumf %add3A_136, %max3A_138 : vector<1024x40xf32>
    %get3A_140 = arith.constant 0 : index
    %get3A_141 = arith.constant 0 : index
    %get3A_142 = vector.load %arg20[%get3A_140, %get3A_141] : memref<40x20xf32, #tpu.memory_space<vmem>>, vector<40x20xf32>
    %convert_element_type3A_143 = arith.truncf %max3A_139 : vector<1024x40xf32> to vector<1024x40xbf16>
    %convert_element_type3A_144 = arith.truncf %get3A_142 : vector<40x20xf32> to vector<40x20xbf16>
    %dot_general3A_145 = arith.constant dense<0.000000e+00> : vector<1024x20xf32>
    %dot_general3A_146 = tpu.matmul %convert_element_type3A_143, %convert_element_type3A_144, %dot_general3A_145 {dimension_numbers = #tpu.dot_dimension_numbers<[1], [0], [0], [1], [0, 0, 1, 1], [], []>, transpose_lhs_hint = false} : vector<1024x40xbf16>, vector<40x20xbf16>, vector<1024x20xf32> -> vector<1024x20xf32>
    %get3A_147 = arith.constant 0 : index
    %get3A_148 = arith.constant 0 : index
    %get3A_149 = vector.load %arg21[%get3A_147, %get3A_148] : memref<1x20xf32, #tpu.memory_space<vmem>>, vector<1x20xf32>
    %add3A_150 = vector.broadcast %get3A_149 : vector<1x20xf32> to vector<1024x20xf32>
    %add3A_151 = arith.addf %dot_general3A_146, %add3A_150 : vector<1024x20xf32>
    %add3A_152 = arith.addf %add3A_70, %add3A_151 : vector<1024x20xf32>
    %mul3A = arith.constant 5.000000e-01 : f32
    %mul3A_153 = vector.broadcast %mul3A : f32 to vector<1024x20xf32>
    %mul3A_154 = arith.mulf %add3A_152, %mul3A_153 : vector<1024x20xf32>
    %transpose3A = tpu.transpose %mul3A_154, [1, 0] : vector<1024x20xf32> -> vector<20x1024xf32>
    %transpose3A_155 = tpu.transpose %slice3A, [1, 0] : vector<1024x20xf32> -> vector<20x1024xf32>
    %reshape3A = vector.shape_cast %convert_element_type3A : vector<1024x1xi32> to vector<1x1024xi32>
    %iota3A_156 = tpu.iota {dimensions = array<i32: 0>} : vector<64x1024xi32>
    %eq3A_157 = vector.broadcast %reshape3A : vector<1x1024xi32> to vector<64x1024xi32>
    %eq3A_158 = arith.cmpi eq, %iota3A_156, %eq3A_157 : vector<64x1024xi32>
    %convert_element_type3A_159 = arith.extui %eq3A_158 : vector<64x1024xi1> to vector<64x1024xi32>
    %convert_element_type3A_160 = arith.sitofp %convert_element_type3A_159 : vector<64x1024xi32> to vector<64x1024xf32>
    %get3A_161 = arith.constant 0 : index
    %get3A_162 = arith.constant 0 : index
    %get3A_163 = vector.load %arg7[%get3A_161, %get3A_162] : memref<1280x64xf32, #tpu.memory_space<vmem>>, vector<256x64xf32>
    %dot_general3A_164 = arith.constant dense<0.000000e+00> : vector<256x1024xf32>
    %dot_general3A_165 = tpu.matmul %get3A_163, %convert_element_type3A_160, %dot_general3A_164 {dimension_numbers = #tpu.dot_dimension_numbers<[1], [0], [0], [1], [0, 0, 1, 1], [], []>, precision = #tpu.contract_precision<fp32>, transpose_lhs_hint = false} : vector<256x64xf32>, vector<64x1024xf32>, vector<256x1024xf32> -> vector<256x1024xf32>
    %slice3A_166 = vector.extract_strided_slice %dot_general3A_165 {offsets = [0, 0], sizes = [64, 1024], strides = [1, 1]} : vector<256x1024xf32> to vector<64x1024xf32>
    %slice3A_167 = vector.extract_strided_slice %transpose3A {offsets = [0, 0], sizes = [1, 1024], strides = [1, 1]} : vector<20x1024xf32> to vector<1x1024xf32>
    %sub3A = vector.broadcast %slice3A_167 : vector<1x1024xf32> to vector<64x1024xf32>
    %sub3A_168 = arith.subf %slice3A_166, %sub3A : vector<64x1024xf32>
    %mul3A_169 = arith.mulf %sub3A_168, %sub3A_168 : vector<64x1024xf32>
    %slice3A_170 = vector.extract_strided_slice %dot_general3A_165 {offsets = [64, 0], sizes = [64, 1024], strides = [1, 1]} : vector<256x1024xf32> to vector<64x1024xf32>
    %slice3A_171 = vector.extract_strided_slice %transpose3A {offsets = [1, 0], sizes = [1, 1024], strides = [1, 1]} : vector<20x1024xf32> to vector<1x1024xf32>
    %sub3A_172 = vector.broadcast %slice3A_171 : vector<1x1024xf32> to vector<64x1024xf32>
    %sub3A_173 = arith.subf %slice3A_170, %sub3A_172 : vector<64x1024xf32>
    %mul3A_174 = arith.mulf %sub3A_173, %sub3A_173 : vector<64x1024xf32>
    %add3A_175 = arith.addf %mul3A_169, %mul3A_174 : vector<64x1024xf32>
    %slice3A_176 = vector.extract_strided_slice %dot_general3A_165 {offsets = [128, 0], sizes = [64, 1024], strides = [1, 1]} : vector<256x1024xf32> to vector<64x1024xf32>
    %slice3A_177 = vector.extract_strided_slice %transpose3A {offsets = [2, 0], sizes = [1, 1024], strides = [1, 1]} : vector<20x1024xf32> to vector<1x1024xf32>
    %sub3A_178 = vector.broadcast %slice3A_177 : vector<1x1024xf32> to vector<64x1024xf32>
    %sub3A_179 = arith.subf %slice3A_176, %sub3A_178 : vector<64x1024xf32>
    %mul3A_180 = arith.mulf %sub3A_179, %sub3A_179 : vector<64x1024xf32>
    %add3A_181 = arith.addf %add3A_175, %mul3A_180 : vector<64x1024xf32>
    %slice3A_182 = vector.extract_strided_slice %dot_general3A_165 {offsets = [192, 0], sizes = [64, 1024], strides = [1, 1]} : vector<256x1024xf32> to vector<64x1024xf32>
    %slice3A_183 = vector.extract_strided_slice %transpose3A {offsets = [3, 0], sizes = [1, 1024], strides = [1, 1]} : vector<20x1024xf32> to vector<1x1024xf32>
    %sub3A_184 = vector.broadcast %slice3A_183 : vector<1x1024xf32> to vector<64x1024xf32>
    %sub3A_185 = arith.subf %slice3A_182, %sub3A_184 : vector<64x1024xf32>
    %mul3A_186 = arith.mulf %sub3A_185, %sub3A_185 : vector<64x1024xf32>
    %add3A_187 = arith.addf %add3A_181, %mul3A_186 : vector<64x1024xf32>
    %get3A_188 = arith.constant 256 : index
    %get3A_189 = arith.constant 0 : index
    %get3A_190 = vector.load %arg7[%get3A_188, %get3A_189] : memref<1280x64xf32, #tpu.memory_space<vmem>>, vector<256x64xf32>
    %dot_general3A_191 = arith.constant dense<0.000000e+00> : vector<256x1024xf32>
    %dot_general3A_192 = tpu.matmul %get3A_190, %convert_element_type3A_160, %dot_general3A_191 {dimension_numbers = #tpu.dot_dimension_numbers<[1], [0], [0], [1], [0, 0, 1, 1], [], []>, precision = #tpu.contract_precision<fp32>, transpose_lhs_hint = false} : vector<256x64xf32>, vector<64x1024xf32>, vector<256x1024xf32> -> vector<256x1024xf32>
    %slice3A_193 = vector.extract_strided_slice %dot_general3A_192 {offsets = [0, 0], sizes = [64, 1024], strides = [1, 1]} : vector<256x1024xf32> to vector<64x1024xf32>
    %slice3A_194 = vector.extract_strided_slice %transpose3A {offsets = [4, 0], sizes = [1, 1024], strides = [1, 1]} : vector<20x1024xf32> to vector<1x1024xf32>
    %sub3A_195 = vector.broadcast %slice3A_194 : vector<1x1024xf32> to vector<64x1024xf32>
    %sub3A_196 = arith.subf %slice3A_193, %sub3A_195 : vector<64x1024xf32>
    %mul3A_197 = arith.mulf %sub3A_196, %sub3A_196 : vector<64x1024xf32>
    %add3A_198 = arith.addf %add3A_187, %mul3A_197 : vector<64x1024xf32>
    %slice3A_199 = vector.extract_strided_slice %dot_general3A_192 {offsets = [64, 0], sizes = [64, 1024], strides = [1, 1]} : vector<256x1024xf32> to vector<64x1024xf32>
    %slice3A_200 = vector.extract_strided_slice %transpose3A {offsets = [5, 0], sizes = [1, 1024], strides = [1, 1]} : vector<20x1024xf32> to vector<1x1024xf32>
    %sub3A_201 = vector.broadcast %slice3A_200 : vector<1x1024xf32> to vector<64x1024xf32>
    %sub3A_202 = arith.subf %slice3A_199, %sub3A_201 : vector<64x1024xf32>
    %mul3A_203 = arith.mulf %sub3A_202, %sub3A_202 : vector<64x1024xf32>
    %add3A_204 = arith.addf %add3A_198, %mul3A_203 : vector<64x1024xf32>
    %slice3A_205 = vector.extract_strided_slice %dot_general3A_192 {offsets = [128, 0], sizes = [64, 1024], strides = [1, 1]} : vector<256x1024xf32> to vector<64x1024xf32>
    %slice3A_206 = vector.extract_strided_slice %transpose3A {offsets = [6, 0], sizes = [1, 1024], strides = [1, 1]} : vector<20x1024xf32> to vector<1x1024xf32>
    %sub3A_207 = vector.broadcast %slice3A_206 : vector<1x1024xf32> to vector<64x1024xf32>
    %sub3A_208 = arith.subf %slice3A_205, %sub3A_207 : vector<64x1024xf32>
    %mul3A_209 = arith.mulf %sub3A_208, %sub3A_208 : vector<64x1024xf32>
    %add3A_210 = arith.addf %add3A_204, %mul3A_209 : vector<64x1024xf32>
    %slice3A_211 = vector.extract_strided_slice %dot_general3A_192 {offsets = [192, 0], sizes = [64, 1024], strides = [1, 1]} : vector<256x1024xf32> to vector<64x1024xf32>
    %slice3A_212 = vector.extract_strided_slice %transpose3A {offsets = [7, 0], sizes = [1, 1024], strides = [1, 1]} : vector<20x1024xf32> to vector<1x1024xf32>
    %sub3A_213 = vector.broadcast %slice3A_212 : vector<1x1024xf32> to vector<64x1024xf32>
    %sub3A_214 = arith.subf %slice3A_211, %sub3A_213 : vector<64x1024xf32>
    %mul3A_215 = arith.mulf %sub3A_214, %sub3A_214 : vector<64x1024xf32>
    %add3A_216 = arith.addf %add3A_210, %mul3A_215 : vector<64x1024xf32>
    %get3A_217 = arith.constant 512 : index
    %get3A_218 = arith.constant 0 : index
    %get3A_219 = vector.load %arg7[%get3A_217, %get3A_218] : memref<1280x64xf32, #tpu.memory_space<vmem>>, vector<256x64xf32>
    %dot_general3A_220 = arith.constant dense<0.000000e+00> : vector<256x1024xf32>
    %dot_general3A_221 = tpu.matmul %get3A_219, %convert_element_type3A_160, %dot_general3A_220 {dimension_numbers = #tpu.dot_dimension_numbers<[1], [0], [0], [1], [0, 0, 1, 1], [], []>, precision = #tpu.contract_precision<fp32>, transpose_lhs_hint = false} : vector<256x64xf32>, vector<64x1024xf32>, vector<256x1024xf32> -> vector<256x1024xf32>
    %slice3A_222 = vector.extract_strided_slice %dot_general3A_221 {offsets = [0, 0], sizes = [64, 1024], strides = [1, 1]} : vector<256x1024xf32> to vector<64x1024xf32>
    %slice3A_223 = vector.extract_strided_slice %transpose3A {offsets = [8, 0], sizes = [1, 1024], strides = [1, 1]} : vector<20x1024xf32> to vector<1x1024xf32>
    %sub3A_224 = vector.broadcast %slice3A_223 : vector<1x1024xf32> to vector<64x1024xf32>
    %sub3A_225 = arith.subf %slice3A_222, %sub3A_224 : vector<64x1024xf32>
    %mul3A_226 = arith.mulf %sub3A_225, %sub3A_225 : vector<64x1024xf32>
    %add3A_227 = arith.addf %add3A_216, %mul3A_226 : vector<64x1024xf32>
    %slice3A_228 = vector.extract_strided_slice %dot_general3A_221 {offsets = [64, 0], sizes = [64, 1024], strides = [1, 1]} : vector<256x1024xf32> to vector<64x1024xf32>
    %slice3A_229 = vector.extract_strided_slice %transpose3A {offsets = [9, 0], sizes = [1, 1024], strides = [1, 1]} : vector<20x1024xf32> to vector<1x1024xf32>
    %sub3A_230 = vector.broadcast %slice3A_229 : vector<1x1024xf32> to vector<64x1024xf32>
    %sub3A_231 = arith.subf %slice3A_228, %sub3A_230 : vector<64x1024xf32>
    %mul3A_232 = arith.mulf %sub3A_231, %sub3A_231 : vector<64x1024xf32>
    %add3A_233 = arith.addf %add3A_227, %mul3A_232 : vector<64x1024xf32>
    %slice3A_234 = vector.extract_strided_slice %dot_general3A_221 {offsets = [128, 0], sizes = [64, 1024], strides = [1, 1]} : vector<256x1024xf32> to vector<64x1024xf32>
    %slice3A_235 = vector.extract_strided_slice %transpose3A {offsets = [10, 0], sizes = [1, 1024], strides = [1, 1]} : vector<20x1024xf32> to vector<1x1024xf32>
    %sub3A_236 = vector.broadcast %slice3A_235 : vector<1x1024xf32> to vector<64x1024xf32>
    %sub3A_237 = arith.subf %slice3A_234, %sub3A_236 : vector<64x1024xf32>
    %mul3A_238 = arith.mulf %sub3A_237, %sub3A_237 : vector<64x1024xf32>
    %add3A_239 = arith.addf %add3A_233, %mul3A_238 : vector<64x1024xf32>
    %slice3A_240 = vector.extract_strided_slice %dot_general3A_221 {offsets = [192, 0], sizes = [64, 1024], strides = [1, 1]} : vector<256x1024xf32> to vector<64x1024xf32>
    %slice3A_241 = vector.extract_strided_slice %transpose3A {offsets = [11, 0], sizes = [1, 1024], strides = [1, 1]} : vector<20x1024xf32> to vector<1x1024xf32>
    %sub3A_242 = vector.broadcast %slice3A_241 : vector<1x1024xf32> to vector<64x1024xf32>
    %sub3A_243 = arith.subf %slice3A_240, %sub3A_242 : vector<64x1024xf32>
    %mul3A_244 = arith.mulf %sub3A_243, %sub3A_243 : vector<64x1024xf32>
    %add3A_245 = arith.addf %add3A_239, %mul3A_244 : vector<64x1024xf32>
    %get3A_246 = arith.constant 768 : index
    %get3A_247 = arith.constant 0 : index
    %get3A_248 = vector.load %arg7[%get3A_246, %get3A_247] : memref<1280x64xf32, #tpu.memory_space<vmem>>, vector<256x64xf32>
    %dot_general3A_249 = arith.constant dense<0.000000e+00> : vector<256x1024xf32>
    %dot_general3A_250 = tpu.matmul %get3A_248, %convert_element_type3A_160, %dot_general3A_249 {dimension_numbers = #tpu.dot_dimension_numbers<[1], [0], [0], [1], [0, 0, 1, 1], [], []>, precision = #tpu.contract_precision<fp32>, transpose_lhs_hint = false} : vector<256x64xf32>, vector<64x1024xf32>, vector<256x1024xf32> -> vector<256x1024xf32>
    %slice3A_251 = vector.extract_strided_slice %dot_general3A_250 {offsets = [0, 0], sizes = [64, 1024], strides = [1, 1]} : vector<256x1024xf32> to vector<64x1024xf32>
    %slice3A_252 = vector.extract_strided_slice %transpose3A {offsets = [12, 0], sizes = [1, 1024], strides = [1, 1]} : vector<20x1024xf32> to vector<1x1024xf32>
    %sub3A_253 = vector.broadcast %slice3A_252 : vector<1x1024xf32> to vector<64x1024xf32>
    %sub3A_254 = arith.subf %slice3A_251, %sub3A_253 : vector<64x1024xf32>
    %mul3A_255 = arith.mulf %sub3A_254, %sub3A_254 : vector<64x1024xf32>
    %add3A_256 = arith.addf %add3A_245, %mul3A_255 : vector<64x1024xf32>
    %slice3A_257 = vector.extract_strided_slice %dot_general3A_250 {offsets = [64, 0], sizes = [64, 1024], strides = [1, 1]} : vector<256x1024xf32> to vector<64x1024xf32>
    %slice3A_258 = vector.extract_strided_slice %transpose3A {offsets = [13, 0], sizes = [1, 1024], strides = [1, 1]} : vector<20x1024xf32> to vector<1x1024xf32>
    %sub3A_259 = vector.broadcast %slice3A_258 : vector<1x1024xf32> to vector<64x1024xf32>
    %sub3A_260 = arith.subf %slice3A_257, %sub3A_259 : vector<64x1024xf32>
    %mul3A_261 = arith.mulf %sub3A_260, %sub3A_260 : vector<64x1024xf32>
    %add3A_262 = arith.addf %add3A_256, %mul3A_261 : vector<64x1024xf32>
    %slice3A_263 = vector.extract_strided_slice %dot_general3A_250 {offsets = [128, 0], sizes = [64, 1024], strides = [1, 1]} : vector<256x1024xf32> to vector<64x1024xf32>
    %slice3A_264 = vector.extract_strided_slice %transpose3A {offsets = [14, 0], sizes = [1, 1024], strides = [1, 1]} : vector<20x1024xf32> to vector<1x1024xf32>
    %sub3A_265 = vector.broadcast %slice3A_264 : vector<1x1024xf32> to vector<64x1024xf32>
    %sub3A_266 = arith.subf %slice3A_263, %sub3A_265 : vector<64x1024xf32>
    %mul3A_267 = arith.mulf %sub3A_266, %sub3A_266 : vector<64x1024xf32>
    %add3A_268 = arith.addf %add3A_262, %mul3A_267 : vector<64x1024xf32>
    %slice3A_269 = vector.extract_strided_slice %dot_general3A_250 {offsets = [192, 0], sizes = [64, 1024], strides = [1, 1]} : vector<256x1024xf32> to vector<64x1024xf32>
    %slice3A_270 = vector.extract_strided_slice %transpose3A {offsets = [15, 0], sizes = [1, 1024], strides = [1, 1]} : vector<20x1024xf32> to vector<1x1024xf32>
    %sub3A_271 = vector.broadcast %slice3A_270 : vector<1x1024xf32> to vector<64x1024xf32>
    %sub3A_272 = arith.subf %slice3A_269, %sub3A_271 : vector<64x1024xf32>
    %mul3A_273 = arith.mulf %sub3A_272, %sub3A_272 : vector<64x1024xf32>
    %add3A_274 = arith.addf %add3A_268, %mul3A_273 : vector<64x1024xf32>
    %get3A_275 = arith.constant 1024 : index
    %get3A_276 = arith.constant 0 : index
    %get3A_277 = vector.load %arg7[%get3A_275, %get3A_276] : memref<1280x64xf32, #tpu.memory_space<vmem>>, vector<256x64xf32>
    %dot_general3A_278 = arith.constant dense<0.000000e+00> : vector<256x1024xf32>
    %dot_general3A_279 = tpu.matmul %get3A_277, %convert_element_type3A_160, %dot_general3A_278 {dimension_numbers = #tpu.dot_dimension_numbers<[1], [0], [0], [1], [0, 0, 1, 1], [], []>, precision = #tpu.contract_precision<fp32>, transpose_lhs_hint = false} : vector<256x64xf32>, vector<64x1024xf32>, vector<256x1024xf32> -> vector<256x1024xf32>
    %slice3A_280 = vector.extract_strided_slice %dot_general3A_279 {offsets = [0, 0], sizes = [64, 1024], strides = [1, 1]} : vector<256x1024xf32> to vector<64x1024xf32>
    %slice3A_281 = vector.extract_strided_slice %transpose3A {offsets = [16, 0], sizes = [1, 1024], strides = [1, 1]} : vector<20x1024xf32> to vector<1x1024xf32>
    %sub3A_282 = vector.broadcast %slice3A_281 : vector<1x1024xf32> to vector<64x1024xf32>
    %sub3A_283 = arith.subf %slice3A_280, %sub3A_282 : vector<64x1024xf32>
    %mul3A_284 = arith.mulf %sub3A_283, %sub3A_283 : vector<64x1024xf32>
    %add3A_285 = arith.addf %add3A_274, %mul3A_284 : vector<64x1024xf32>
    %slice3A_286 = vector.extract_strided_slice %dot_general3A_279 {offsets = [64, 0], sizes = [64, 1024], strides = [1, 1]} : vector<256x1024xf32> to vector<64x1024xf32>
    %slice3A_287 = vector.extract_strided_slice %transpose3A {offsets = [17, 0], sizes = [1, 1024], strides = [1, 1]} : vector<20x1024xf32> to vector<1x1024xf32>
    %sub3A_288 = vector.broadcast %slice3A_287 : vector<1x1024xf32> to vector<64x1024xf32>
    %sub3A_289 = arith.subf %slice3A_286, %sub3A_288 : vector<64x1024xf32>
    %mul3A_290 = arith.mulf %sub3A_289, %sub3A_289 : vector<64x1024xf32>
    %add3A_291 = arith.addf %add3A_285, %mul3A_290 : vector<64x1024xf32>
    %slice3A_292 = vector.extract_strided_slice %dot_general3A_279 {offsets = [128, 0], sizes = [64, 1024], strides = [1, 1]} : vector<256x1024xf32> to vector<64x1024xf32>
    %slice3A_293 = vector.extract_strided_slice %transpose3A {offsets = [18, 0], sizes = [1, 1024], strides = [1, 1]} : vector<20x1024xf32> to vector<1x1024xf32>
    %sub3A_294 = vector.broadcast %slice3A_293 : vector<1x1024xf32> to vector<64x1024xf32>
    %sub3A_295 = arith.subf %slice3A_292, %sub3A_294 : vector<64x1024xf32>
    %mul3A_296 = arith.mulf %sub3A_295, %sub3A_295 : vector<64x1024xf32>
    %add3A_297 = arith.addf %add3A_291, %mul3A_296 : vector<64x1024xf32>
    %slice3A_298 = vector.extract_strided_slice %dot_general3A_279 {offsets = [192, 0], sizes = [64, 1024], strides = [1, 1]} : vector<256x1024xf32> to vector<64x1024xf32>
    %slice3A_299 = vector.extract_strided_slice %transpose3A {offsets = [19, 0], sizes = [1, 1024], strides = [1, 1]} : vector<20x1024xf32> to vector<1x1024xf32>
    %sub3A_300 = vector.broadcast %slice3A_299 : vector<1x1024xf32> to vector<64x1024xf32>
    %sub3A_301 = arith.subf %slice3A_298, %sub3A_300 : vector<64x1024xf32>
    %mul3A_302 = arith.mulf %sub3A_301, %sub3A_301 : vector<64x1024xf32>
    %add3A_303 = arith.addf %add3A_297, %mul3A_302 : vector<64x1024xf32>
    %add3A_304 = arith.constant 9.99999996E-13 : f32
    %add3A_305 = vector.broadcast %add3A_304 : f32 to vector<64x1024xf32>
    %add3A_306 = arith.addf %add3A_303, %add3A_305 : vector<64x1024xf32>
    %sqrt3A = math.sqrt %add3A_306 : vector<64x1024xf32>
    %mul3A_307 = arith.constant -2.000000e-02 : f32
    %mul3A_308 = vector.broadcast %mul3A_307 : f32 to vector<64x1024xf32>
    %mul3A_309 = arith.mulf %mul3A_308, %sqrt3A : vector<64x1024xf32>
    %exp3A = math.exp %mul3A_309 : vector<64x1024xf32>
    %broadcast_in_dim3A_310 = arith.constant false
    %broadcast_in_dim3A_311 = vector.broadcast %broadcast_in_dim3A_310 : i1 to vector<64x1024xi1>
    %reduce_max3A = arith.constant dense<0xFF800000> : vector<1024xf32>
    %reduce_max3A_312 = vector.multi_reduction <maximumf>, %exp3A, %reduce_max3A [0] : vector<64x1024xf32> to vector<1024xf32>
    %broadcast_in_dim3A_313 = vector.shape_cast %reduce_max3A_312 : vector<1024xf32> to vector<1x1024xf32>
    %eq3A_314 = vector.broadcast %broadcast_in_dim3A_313 : vector<1x1024xf32> to vector<64x1024xf32>
    %eq3A_315 = arith.cmpf oeq, %exp3A, %eq3A_314 : vector<64x1024xf32>
    %jit3A_316 = arith.constant 64 : i32
    %broadcast_in_dim3A_317 = vector.broadcast %jit3A_316 : i32 to vector<64x1024xi32>
    %select_n3A_318 = arith.select %eq3A_315, %iota3A_156, %broadcast_in_dim3A_317 : vector<64x1024xi1>, vector<64x1024xi32>
    %reduce_min3A = arith.constant dense<2147483647> : vector<1024xi32>
    %reduce_min3A_319 = vector.multi_reduction <minsi>, %select_n3A_318, %reduce_min3A [0] : vector<64x1024xi32> to vector<1024xi32>
    %broadcast_in_dim3A_320 = vector.shape_cast %reduce_min3A_319 : vector<1024xi32> to vector<1x1024xi32>
    %eq3A_321 = vector.broadcast %broadcast_in_dim3A_320 : vector<1x1024xi32> to vector<64x1024xi32>
    %eq3A_322 = arith.cmpi eq, %iota3A_156, %eq3A_321 : vector<64x1024xi32>
    %or3A_323 = arith.ori %broadcast_in_dim3A_311, %eq3A_322 : vector<64x1024xi1>
    %jit3A_324 = arith.constant -1.000000e+00 : f32
    %broadcast_in_dim3A_325 = vector.broadcast %jit3A_324 : f32 to vector<64x1024xf32>
    %select_n3A_326 = arith.select %eq3A_322, %broadcast_in_dim3A_325, %exp3A : vector<64x1024xi1>, vector<64x1024xf32>
    %reduce_max3A_327 = arith.constant dense<0xFF800000> : vector<1024xf32>
    %reduce_max3A_328 = vector.multi_reduction <maximumf>, %select_n3A_326, %reduce_max3A_327 [0] : vector<64x1024xf32> to vector<1024xf32>
    %broadcast_in_dim3A_329 = vector.shape_cast %reduce_max3A_328 : vector<1024xf32> to vector<1x1024xf32>
    %eq3A_330 = vector.broadcast %broadcast_in_dim3A_329 : vector<1x1024xf32> to vector<64x1024xf32>
    %eq3A_331 = arith.cmpf oeq, %select_n3A_326, %eq3A_330 : vector<64x1024xf32>
    %jit3A_332 = arith.constant 64 : i32
    %broadcast_in_dim3A_333 = vector.broadcast %jit3A_332 : i32 to vector<64x1024xi32>
    %select_n3A_334 = arith.select %eq3A_331, %iota3A_156, %broadcast_in_dim3A_333 : vector<64x1024xi1>, vector<64x1024xi32>
    %reduce_min3A_335 = arith.constant dense<2147483647> : vector<1024xi32>
    %reduce_min3A_336 = vector.multi_reduction <minsi>, %select_n3A_334, %reduce_min3A_335 [0] : vector<64x1024xi32> to vector<1024xi32>
    %broadcast_in_dim3A_337 = vector.shape_cast %reduce_min3A_336 : vector<1024xi32> to vector<1x1024xi32>
    %eq3A_338 = vector.broadcast %broadcast_in_dim3A_337 : vector<1x1024xi32> to vector<64x1024xi32>
    %eq3A_339 = arith.cmpi eq, %iota3A_156, %eq3A_338 : vector<64x1024xi32>
    %or3A_340 = arith.ori %or3A_323, %eq3A_339 : vector<64x1024xi1>
    %jit3A_341 = arith.constant -1.000000e+00 : f32
    %broadcast_in_dim3A_342 = vector.broadcast %jit3A_341 : f32 to vector<64x1024xf32>
    %select_n3A_343 = arith.select %eq3A_339, %broadcast_in_dim3A_342, %select_n3A_326 : vector<64x1024xi1>, vector<64x1024xf32>
    %reduce_max3A_344 = arith.constant dense<0xFF800000> : vector<1024xf32>
    %reduce_max3A_345 = vector.multi_reduction <maximumf>, %select_n3A_343, %reduce_max3A_344 [0] : vector<64x1024xf32> to vector<1024xf32>
    %broadcast_in_dim3A_346 = vector.shape_cast %reduce_max3A_345 : vector<1024xf32> to vector<1x1024xf32>
    %eq3A_347 = vector.broadcast %broadcast_in_dim3A_346 : vector<1x1024xf32> to vector<64x1024xf32>
    %eq3A_348 = arith.cmpf oeq, %select_n3A_343, %eq3A_347 : vector<64x1024xf32>
    %jit3A_349 = arith.constant 64 : i32
    %broadcast_in_dim3A_350 = vector.broadcast %jit3A_349 : i32 to vector<64x1024xi32>
    %select_n3A_351 = arith.select %eq3A_348, %iota3A_156, %broadcast_in_dim3A_350 : vector<64x1024xi1>, vector<64x1024xi32>
    %reduce_min3A_352 = arith.constant dense<2147483647> : vector<1024xi32>
    %reduce_min3A_353 = vector.multi_reduction <minsi>, %select_n3A_351, %reduce_min3A_352 [0] : vector<64x1024xi32> to vector<1024xi32>
    %broadcast_in_dim3A_354 = vector.shape_cast %reduce_min3A_353 : vector<1024xi32> to vector<1x1024xi32>
    %eq3A_355 = vector.broadcast %broadcast_in_dim3A_354 : vector<1x1024xi32> to vector<64x1024xi32>
    %eq3A_356 = arith.cmpi eq, %iota3A_156, %eq3A_355 : vector<64x1024xi32>
    %or3A_357 = arith.ori %or3A_340, %eq3A_356 : vector<64x1024xi1>
    %jit3A_358 = arith.constant -1.000000e+00 : f32
    %broadcast_in_dim3A_359 = vector.broadcast %jit3A_358 : f32 to vector<64x1024xf32>
    %select_n3A_360 = arith.select %eq3A_356, %broadcast_in_dim3A_359, %select_n3A_343 : vector<64x1024xi1>, vector<64x1024xf32>
    %reduce_max3A_361 = arith.constant dense<0xFF800000> : vector<1024xf32>
    %reduce_max3A_362 = vector.multi_reduction <maximumf>, %select_n3A_360, %reduce_max3A_361 [0] : vector<64x1024xf32> to vector<1024xf32>
    %broadcast_in_dim3A_363 = vector.shape_cast %reduce_max3A_362 : vector<1024xf32> to vector<1x1024xf32>
    %eq3A_364 = vector.broadcast %broadcast_in_dim3A_363 : vector<1x1024xf32> to vector<64x1024xf32>
    %eq3A_365 = arith.cmpf oeq, %select_n3A_360, %eq3A_364 : vector<64x1024xf32>
    %jit3A_366 = arith.constant 64 : i32
    %broadcast_in_dim3A_367 = vector.broadcast %jit3A_366 : i32 to vector<64x1024xi32>
    %select_n3A_368 = arith.select %eq3A_365, %iota3A_156, %broadcast_in_dim3A_367 : vector<64x1024xi1>, vector<64x1024xi32>
    %reduce_min3A_369 = arith.constant dense<2147483647> : vector<1024xi32>
    %reduce_min3A_370 = vector.multi_reduction <minsi>, %select_n3A_368, %reduce_min3A_369 [0] : vector<64x1024xi32> to vector<1024xi32>
    %broadcast_in_dim3A_371 = vector.shape_cast %reduce_min3A_370 : vector<1024xi32> to vector<1x1024xi32>
    %eq3A_372 = vector.broadcast %broadcast_in_dim3A_371 : vector<1x1024xi32> to vector<64x1024xi32>
    %eq3A_373 = arith.cmpi eq, %iota3A_156, %eq3A_372 : vector<64x1024xi32>
    %or3A_374 = arith.ori %or3A_357, %eq3A_373 : vector<64x1024xi1>
    %jit3A_375 = arith.constant -1.000000e+00 : f32
    %broadcast_in_dim3A_376 = vector.broadcast %jit3A_375 : f32 to vector<64x1024xf32>
    %select_n3A_377 = arith.select %eq3A_373, %broadcast_in_dim3A_376, %select_n3A_360 : vector<64x1024xi1>, vector<64x1024xf32>
    %reduce_max3A_378 = arith.constant dense<0xFF800000> : vector<1024xf32>
    %reduce_max3A_379 = vector.multi_reduction <maximumf>, %select_n3A_377, %reduce_max3A_378 [0] : vector<64x1024xf32> to vector<1024xf32>
    %broadcast_in_dim3A_380 = vector.shape_cast %reduce_max3A_379 : vector<1024xf32> to vector<1x1024xf32>
    %eq3A_381 = vector.broadcast %broadcast_in_dim3A_380 : vector<1x1024xf32> to vector<64x1024xf32>
    %eq3A_382 = arith.cmpf oeq, %select_n3A_377, %eq3A_381 : vector<64x1024xf32>
    %jit3A_383 = arith.constant 64 : i32
    %broadcast_in_dim3A_384 = vector.broadcast %jit3A_383 : i32 to vector<64x1024xi32>
    %select_n3A_385 = arith.select %eq3A_382, %iota3A_156, %broadcast_in_dim3A_384 : vector<64x1024xi1>, vector<64x1024xi32>
    %reduce_min3A_386 = arith.constant dense<2147483647> : vector<1024xi32>
    %reduce_min3A_387 = vector.multi_reduction <minsi>, %select_n3A_385, %reduce_min3A_386 [0] : vector<64x1024xi32> to vector<1024xi32>
    %broadcast_in_dim3A_388 = vector.shape_cast %reduce_min3A_387 : vector<1024xi32> to vector<1x1024xi32>
    %eq3A_389 = vector.broadcast %broadcast_in_dim3A_388 : vector<1x1024xi32> to vector<64x1024xi32>
    %eq3A_390 = arith.cmpi eq, %iota3A_156, %eq3A_389 : vector<64x1024xi32>
    %or3A_391 = arith.ori %or3A_374, %eq3A_390 : vector<64x1024xi1>
    %jit3A_392 = arith.constant -1.000000e+00 : f32
    %broadcast_in_dim3A_393 = vector.broadcast %jit3A_392 : f32 to vector<64x1024xf32>
    %select_n3A_394 = arith.select %eq3A_390, %broadcast_in_dim3A_393, %select_n3A_377 : vector<64x1024xi1>, vector<64x1024xf32>
    %reduce_max3A_395 = arith.constant dense<0xFF800000> : vector<1024xf32>
    %reduce_max3A_396 = vector.multi_reduction <maximumf>, %select_n3A_394, %reduce_max3A_395 [0] : vector<64x1024xf32> to vector<1024xf32>
    %broadcast_in_dim3A_397 = vector.shape_cast %reduce_max3A_396 : vector<1024xf32> to vector<1x1024xf32>
    %eq3A_398 = vector.broadcast %broadcast_in_dim3A_397 : vector<1x1024xf32> to vector<64x1024xf32>
    %eq3A_399 = arith.cmpf oeq, %select_n3A_394, %eq3A_398 : vector<64x1024xf32>
    %jit3A_400 = arith.constant 64 : i32
    %broadcast_in_dim3A_401 = vector.broadcast %jit3A_400 : i32 to vector<64x1024xi32>
    %select_n3A_402 = arith.select %eq3A_399, %iota3A_156, %broadcast_in_dim3A_401 : vector<64x1024xi1>, vector<64x1024xi32>
    %reduce_min3A_403 = arith.constant dense<2147483647> : vector<1024xi32>
    %reduce_min3A_404 = vector.multi_reduction <minsi>, %select_n3A_402, %reduce_min3A_403 [0] : vector<64x1024xi32> to vector<1024xi32>
    %broadcast_in_dim3A_405 = vector.shape_cast %reduce_min3A_404 : vector<1024xi32> to vector<1x1024xi32>
    %eq3A_406 = vector.broadcast %broadcast_in_dim3A_405 : vector<1x1024xi32> to vector<64x1024xi32>
    %eq3A_407 = arith.cmpi eq, %iota3A_156, %eq3A_406 : vector<64x1024xi32>
    %or3A_408 = arith.ori %or3A_391, %eq3A_407 : vector<64x1024xi1>
    %jit3A_409 = arith.constant -1.000000e+00 : f32
    %broadcast_in_dim3A_410 = vector.broadcast %jit3A_409 : f32 to vector<64x1024xf32>
    %select_n3A_411 = arith.select %eq3A_407, %broadcast_in_dim3A_410, %select_n3A_394 : vector<64x1024xi1>, vector<64x1024xf32>
    %reduce_max3A_412 = arith.constant dense<0xFF800000> : vector<1024xf32>
    %reduce_max3A_413 = vector.multi_reduction <maximumf>, %select_n3A_411, %reduce_max3A_412 [0] : vector<64x1024xf32> to vector<1024xf32>
    %broadcast_in_dim3A_414 = vector.shape_cast %reduce_max3A_413 : vector<1024xf32> to vector<1x1024xf32>
    %eq3A_415 = vector.broadcast %broadcast_in_dim3A_414 : vector<1x1024xf32> to vector<64x1024xf32>
    %eq3A_416 = arith.cmpf oeq, %select_n3A_411, %eq3A_415 : vector<64x1024xf32>
    %jit3A_417 = arith.constant 64 : i32
    %broadcast_in_dim3A_418 = vector.broadcast %jit3A_417 : i32 to vector<64x1024xi32>
    %select_n3A_419 = arith.select %eq3A_416, %iota3A_156, %broadcast_in_dim3A_418 : vector<64x1024xi1>, vector<64x1024xi32>
    %reduce_min3A_420 = arith.constant dense<2147483647> : vector<1024xi32>
    %reduce_min3A_421 = vector.multi_reduction <minsi>, %select_n3A_419, %reduce_min3A_420 [0] : vector<64x1024xi32> to vector<1024xi32>
    %broadcast_in_dim3A_422 = vector.shape_cast %reduce_min3A_421 : vector<1024xi32> to vector<1x1024xi32>
    %eq3A_423 = vector.broadcast %broadcast_in_dim3A_422 : vector<1x1024xi32> to vector<64x1024xi32>
    %eq3A_424 = arith.cmpi eq, %iota3A_156, %eq3A_423 : vector<64x1024xi32>
    %or3A_425 = arith.ori %or3A_408, %eq3A_424 : vector<64x1024xi1>
    %jit3A_426 = arith.constant -1.000000e+00 : f32
    %broadcast_in_dim3A_427 = vector.broadcast %jit3A_426 : f32 to vector<64x1024xf32>
    %select_n3A_428 = arith.select %eq3A_424, %broadcast_in_dim3A_427, %select_n3A_411 : vector<64x1024xi1>, vector<64x1024xf32>
    %reduce_max3A_429 = arith.constant dense<0xFF800000> : vector<1024xf32>
    %reduce_max3A_430 = vector.multi_reduction <maximumf>, %select_n3A_428, %reduce_max3A_429 [0] : vector<64x1024xf32> to vector<1024xf32>
    %broadcast_in_dim3A_431 = vector.shape_cast %reduce_max3A_430 : vector<1024xf32> to vector<1x1024xf32>
    %eq3A_432 = vector.broadcast %broadcast_in_dim3A_431 : vector<1x1024xf32> to vector<64x1024xf32>
    %eq3A_433 = arith.cmpf oeq, %select_n3A_428, %eq3A_432 : vector<64x1024xf32>
    %jit3A_434 = arith.constant 64 : i32
    %broadcast_in_dim3A_435 = vector.broadcast %jit3A_434 : i32 to vector<64x1024xi32>
    %select_n3A_436 = arith.select %eq3A_433, %iota3A_156, %broadcast_in_dim3A_435 : vector<64x1024xi1>, vector<64x1024xi32>
    %reduce_min3A_437 = arith.constant dense<2147483647> : vector<1024xi32>
    %reduce_min3A_438 = vector.multi_reduction <minsi>, %select_n3A_436, %reduce_min3A_437 [0] : vector<64x1024xi32> to vector<1024xi32>
    %broadcast_in_dim3A_439 = vector.shape_cast %reduce_min3A_438 : vector<1024xi32> to vector<1x1024xi32>
    %eq3A_440 = vector.broadcast %broadcast_in_dim3A_439 : vector<1x1024xi32> to vector<64x1024xi32>
    %eq3A_441 = arith.cmpi eq, %iota3A_156, %eq3A_440 : vector<64x1024xi32>
    %or3A_442 = arith.ori %or3A_425, %eq3A_441 : vector<64x1024xi1>
    %jit3A_443 = arith.constant -1.000000e+00 : f32
    %broadcast_in_dim3A_444 = vector.broadcast %jit3A_443 : f32 to vector<64x1024xf32>
    %select_n3A_445 = arith.select %eq3A_441, %broadcast_in_dim3A_444, %select_n3A_428 : vector<64x1024xi1>, vector<64x1024xf32>
    %reduce_max3A_446 = arith.constant dense<0xFF800000> : vector<1024xf32>
    %reduce_max3A_447 = vector.multi_reduction <maximumf>, %select_n3A_445, %reduce_max3A_446 [0] : vector<64x1024xf32> to vector<1024xf32>
    %broadcast_in_dim3A_448 = vector.shape_cast %reduce_max3A_447 : vector<1024xf32> to vector<1x1024xf32>
    %eq3A_449 = vector.broadcast %broadcast_in_dim3A_448 : vector<1x1024xf32> to vector<64x1024xf32>
    %eq3A_450 = arith.cmpf oeq, %select_n3A_445, %eq3A_449 : vector<64x1024xf32>
    %jit3A_451 = arith.constant 64 : i32
    %broadcast_in_dim3A_452 = vector.broadcast %jit3A_451 : i32 to vector<64x1024xi32>
    %select_n3A_453 = arith.select %eq3A_450, %iota3A_156, %broadcast_in_dim3A_452 : vector<64x1024xi1>, vector<64x1024xi32>
    %reduce_min3A_454 = arith.constant dense<2147483647> : vector<1024xi32>
    %reduce_min3A_455 = vector.multi_reduction <minsi>, %select_n3A_453, %reduce_min3A_454 [0] : vector<64x1024xi32> to vector<1024xi32>
    %broadcast_in_dim3A_456 = vector.shape_cast %reduce_min3A_455 : vector<1024xi32> to vector<1x1024xi32>
    %eq3A_457 = vector.broadcast %broadcast_in_dim3A_456 : vector<1x1024xi32> to vector<64x1024xi32>
    %eq3A_458 = arith.cmpi eq, %iota3A_156, %eq3A_457 : vector<64x1024xi32>
    %or3A_459 = arith.ori %or3A_442, %eq3A_458 : vector<64x1024xi1>
    %jit3A_460 = arith.constant -1.000000e+00 : f32
    %broadcast_in_dim3A_461 = vector.broadcast %jit3A_460 : f32 to vector<64x1024xf32>
    %select_n3A_462 = arith.select %eq3A_458, %broadcast_in_dim3A_461, %select_n3A_445 : vector<64x1024xi1>, vector<64x1024xf32>
    %reduce_max3A_463 = arith.constant dense<0xFF800000> : vector<1024xf32>
    %reduce_max3A_464 = vector.multi_reduction <maximumf>, %select_n3A_462, %reduce_max3A_463 [0] : vector<64x1024xf32> to vector<1024xf32>
    %broadcast_in_dim3A_465 = vector.shape_cast %reduce_max3A_464 : vector<1024xf32> to vector<1x1024xf32>
    %eq3A_466 = vector.broadcast %broadcast_in_dim3A_465 : vector<1x1024xf32> to vector<64x1024xf32>
    %eq3A_467 = arith.cmpf oeq, %select_n3A_462, %eq3A_466 : vector<64x1024xf32>
    %jit3A_468 = arith.constant 64 : i32
    %broadcast_in_dim3A_469 = vector.broadcast %jit3A_468 : i32 to vector<64x1024xi32>
    %select_n3A_470 = arith.select %eq3A_467, %iota3A_156, %broadcast_in_dim3A_469 : vector<64x1024xi1>, vector<64x1024xi32>
    %reduce_min3A_471 = arith.constant dense<2147483647> : vector<1024xi32>
    %reduce_min3A_472 = vector.multi_reduction <minsi>, %select_n3A_470, %reduce_min3A_471 [0] : vector<64x1024xi32> to vector<1024xi32>
    %broadcast_in_dim3A_473 = vector.shape_cast %reduce_min3A_472 : vector<1024xi32> to vector<1x1024xi32>
    %eq3A_474 = vector.broadcast %broadcast_in_dim3A_473 : vector<1x1024xi32> to vector<64x1024xi32>
    %eq3A_475 = arith.cmpi eq, %iota3A_156, %eq3A_474 : vector<64x1024xi32>
    %or3A_476 = arith.ori %or3A_459, %eq3A_475 : vector<64x1024xi1>
    %exp3A_477 = math.exp %exp3A : vector<64x1024xf32>
    %jit3A_478 = arith.constant 0.000000e+00 : f32
    %broadcast_in_dim3A_479 = vector.broadcast %jit3A_478 : f32 to vector<64x1024xf32>
    %select_n3A_480 = arith.select %or3A_476, %exp3A_477, %broadcast_in_dim3A_479 : vector<64x1024xi1>, vector<64x1024xf32>
    %reduce_sum3A = arith.constant dense<0.000000e+00> : vector<1024xf32>
    %reduce_sum3A_481 = vector.multi_reduction <add>, %select_n3A_480, %reduce_sum3A [0] : vector<64x1024xf32> to vector<1024xf32>
    %broadcast_in_dim3A_482 = vector.shape_cast %reduce_sum3A_481 : vector<1024xf32> to vector<1x1024xf32>
    %add3A_483 = arith.constant 2.71828175 : f32
    %add3A_484 = vector.broadcast %add3A_483 : f32 to vector<1x1024xf32>
    %add3A_485 = arith.addf %broadcast_in_dim3A_482, %add3A_484 : vector<1x1024xf32>
    %get3A_486 = arith.constant 0 : index
    %get3A_487 = arith.constant 0 : index
    %get3A_488 = vector.load %arg8[%get3A_486, %get3A_487] : memref<1280x64xf32, #tpu.memory_space<vmem>>, vector<256x64xf32>
    %dot_general3A_489 = arith.constant dense<0.000000e+00> : vector<256x1024xf32>
    %dot_general3A_490 = tpu.matmul %get3A_488, %convert_element_type3A_160, %dot_general3A_489 {dimension_numbers = #tpu.dot_dimension_numbers<[1], [0], [0], [1], [0, 0, 1, 1], [], []>, precision = #tpu.contract_precision<fp32>, transpose_lhs_hint = false} : vector<256x64xf32>, vector<64x1024xf32>, vector<256x1024xf32> -> vector<256x1024xf32>
    %slice3A_491 = vector.extract_strided_slice %dot_general3A_490 {offsets = [0, 0], sizes = [64, 1024], strides = [1, 1]} : vector<256x1024xf32> to vector<64x1024xf32>
    %mul3A_492 = arith.mulf %select_n3A_480, %slice3A_491 : vector<64x1024xf32>
    %reduce_sum3A_493 = arith.constant dense<0.000000e+00> : vector<1024xf32>
    %reduce_sum3A_494 = vector.multi_reduction <add>, %mul3A_492, %reduce_sum3A_493 [0] : vector<64x1024xf32> to vector<1024xf32>
    %broadcast_in_dim3A_495 = vector.shape_cast %reduce_sum3A_494 : vector<1024xf32> to vector<1x1024xf32>
    %slice3A_496 = vector.extract_strided_slice %transpose3A_155 {offsets = [0, 0], sizes = [1, 1024], strides = [1, 1]} : vector<20x1024xf32> to vector<1x1024xf32>
    %mul3A_497 = arith.constant 2.71828175 : f32
    %mul3A_498 = vector.broadcast %mul3A_497 : f32 to vector<1x1024xf32>
    %mul3A_499 = arith.mulf %mul3A_498, %slice3A_496 : vector<1x1024xf32>
    %add3A_500 = arith.addf %broadcast_in_dim3A_495, %mul3A_499 : vector<1x1024xf32>
    %div3A = arith.divf %add3A_500, %add3A_485 : vector<1x1024xf32>
    %swap3A = arith.constant 0 : index
    %swap3A_501 = arith.constant 0 : index
    %swap3A_502 = vector.load %arg23[%swap3A, %swap3A_501] : memref<20x1024xf32, #tpu.memory_space<vmem>>, vector<1x1024xf32>
    tpu.vector_store %arg23[%swap3A, %swap3A_501], %div3A {strides = array<i32>} : memref<20x1024xf32, #tpu.memory_space<vmem>>, vector<1x1024xf32>,
    %slice3A_503 = vector.extract_strided_slice %dot_general3A_490 {offsets = [64, 0], sizes = [64, 1024], strides = [1, 1]} : vector<256x1024xf32> to vector<64x1024xf32>
    %mul3A_504 = arith.mulf %select_n3A_480, %slice3A_503 : vector<64x1024xf32>
    %reduce_sum3A_505 = arith.constant dense<0.000000e+00> : vector<1024xf32>
    %reduce_sum3A_506 = vector.multi_reduction <add>, %mul3A_504, %reduce_sum3A_505 [0] : vector<64x1024xf32> to vector<1024xf32>
    %broadcast_in_dim3A_507 = vector.shape_cast %reduce_sum3A_506 : vector<1024xf32> to vector<1x1024xf32>
    %slice3A_508 = vector.extract_strided_slice %transpose3A_155 {offsets = [1, 0], sizes = [1, 1024], strides = [1, 1]} : vector<20x1024xf32> to vector<1x1024xf32>
    %mul3A_509 = arith.constant 2.71828175 : f32
    %mul3A_510 = vector.broadcast %mul3A_509 : f32 to vector<1x1024xf32>
    %mul3A_511 = arith.mulf %mul3A_510, %slice3A_508 : vector<1x1024xf32>
    %add3A_512 = arith.addf %broadcast_in_dim3A_507, %mul3A_511 : vector<1x1024xf32>
    %div3A_513 = arith.divf %add3A_512, %add3A_485 : vector<1x1024xf32>
    %swap3A_514 = arith.constant 1 : index
    %swap3A_515 = arith.constant 0 : index
    %swap3A_516 = vector.load %arg23[%swap3A_514, %swap3A_515] : memref<20x1024xf32, #tpu.memory_space<vmem>>, vector<1x1024xf32>
    tpu.vector_store %arg23[%swap3A_514, %swap3A_515], %div3A_513 {strides = array<i32>} : memref<20x1024xf32, #tpu.memory_space<vmem>>, vector<1x1024xf32>,
    %slice3A_517 = vector.extract_strided_slice %dot_general3A_490 {offsets = [128, 0], sizes = [64, 1024], strides = [1, 1]} : vector<256x1024xf32> to vector<64x1024xf32>
    %mul3A_518 = arith.mulf %select_n3A_480, %slice3A_517 : vector<64x1024xf32>
    %reduce_sum3A_519 = arith.constant dense<0.000000e+00> : vector<1024xf32>
    %reduce_sum3A_520 = vector.multi_reduction <add>, %mul3A_518, %reduce_sum3A_519 [0] : vector<64x1024xf32> to vector<1024xf32>
    %broadcast_in_dim3A_521 = vector.shape_cast %reduce_sum3A_520 : vector<1024xf32> to vector<1x1024xf32>
    %slice3A_522 = vector.extract_strided_slice %transpose3A_155 {offsets = [2, 0], sizes = [1, 1024], strides = [1, 1]} : vector<20x1024xf32> to vector<1x1024xf32>
    %mul3A_523 = arith.constant 2.71828175 : f32
    %mul3A_524 = vector.broadcast %mul3A_523 : f32 to vector<1x1024xf32>
    %mul3A_525 = arith.mulf %mul3A_524, %slice3A_522 : vector<1x1024xf32>
    %add3A_526 = arith.addf %broadcast_in_dim3A_521, %mul3A_525 : vector<1x1024xf32>
    %div3A_527 = arith.divf %add3A_526, %add3A_485 : vector<1x1024xf32>
    %swap3A_528 = arith.constant 2 : index
    %swap3A_529 = arith.constant 0 : index
    %swap3A_530 = vector.load %arg23[%swap3A_528, %swap3A_529] : memref<20x1024xf32, #tpu.memory_space<vmem>>, vector<1x1024xf32>
    tpu.vector_store %arg23[%swap3A_528, %swap3A_529], %div3A_527 {strides = array<i32>} : memref<20x1024xf32, #tpu.memory_space<vmem>>, vector<1x1024xf32>,
    %slice3A_531 = vector.extract_strided_slice %dot_general3A_490 {offsets = [192, 0], sizes = [64, 1024], strides = [1, 1]} : vector<256x1024xf32> to vector<64x1024xf32>
    %mul3A_532 = arith.mulf %select_n3A_480, %slice3A_531 : vector<64x1024xf32>
    %reduce_sum3A_533 = arith.constant dense<0.000000e+00> : vector<1024xf32>
    %reduce_sum3A_534 = vector.multi_reduction <add>, %mul3A_532, %reduce_sum3A_533 [0] : vector<64x1024xf32> to vector<1024xf32>
    %broadcast_in_dim3A_535 = vector.shape_cast %reduce_sum3A_534 : vector<1024xf32> to vector<1x1024xf32>
    %slice3A_536 = vector.extract_strided_slice %transpose3A_155 {offsets = [3, 0], sizes = [1, 1024], strides = [1, 1]} : vector<20x1024xf32> to vector<1x1024xf32>
    %mul3A_537 = arith.constant 2.71828175 : f32
    %mul3A_538 = vector.broadcast %mul3A_537 : f32 to vector<1x1024xf32>
    %mul3A_539 = arith.mulf %mul3A_538, %slice3A_536 : vector<1x1024xf32>
    %add3A_540 = arith.addf %broadcast_in_dim3A_535, %mul3A_539 : vector<1x1024xf32>
    %div3A_541 = arith.divf %add3A_540, %add3A_485 : vector<1x1024xf32>
    %swap3A_542 = arith.constant 3 : index
    %swap3A_543 = arith.constant 0 : index
    %swap3A_544 = vector.load %arg23[%swap3A_542, %swap3A_543] : memref<20x1024xf32, #tpu.memory_space<vmem>>, vector<1x1024xf32>
    tpu.vector_store %arg23[%swap3A_542, %swap3A_543], %div3A_541 {strides = array<i32>} : memref<20x1024xf32, #tpu.memory_space<vmem>>, vector<1x1024xf32>,
    %get3A_545 = arith.constant 256 : index
    %get3A_546 = arith.constant 0 : index
    %get3A_547 = vector.load %arg8[%get3A_545, %get3A_546] : memref<1280x64xf32, #tpu.memory_space<vmem>>, vector<256x64xf32>
    %dot_general3A_548 = arith.constant dense<0.000000e+00> : vector<256x1024xf32>
    %dot_general3A_549 = tpu.matmul %get3A_547, %convert_element_type3A_160, %dot_general3A_548 {dimension_numbers = #tpu.dot_dimension_numbers<[1], [0], [0], [1], [0, 0, 1, 1], [], []>, precision = #tpu.contract_precision<fp32>, transpose_lhs_hint = false} : vector<256x64xf32>, vector<64x1024xf32>, vector<256x1024xf32> -> vector<256x1024xf32>
    %slice3A_550 = vector.extract_strided_slice %dot_general3A_549 {offsets = [0, 0], sizes = [64, 1024], strides = [1, 1]} : vector<256x1024xf32> to vector<64x1024xf32>
    %mul3A_551 = arith.mulf %select_n3A_480, %slice3A_550 : vector<64x1024xf32>
    %reduce_sum3A_552 = arith.constant dense<0.000000e+00> : vector<1024xf32>
    %reduce_sum3A_553 = vector.multi_reduction <add>, %mul3A_551, %reduce_sum3A_552 [0] : vector<64x1024xf32> to vector<1024xf32>
    %broadcast_in_dim3A_554 = vector.shape_cast %reduce_sum3A_553 : vector<1024xf32> to vector<1x1024xf32>
    %slice3A_555 = vector.extract_strided_slice %transpose3A_155 {offsets = [4, 0], sizes = [1, 1024], strides = [1, 1]} : vector<20x1024xf32> to vector<1x1024xf32>
    %mul3A_556 = arith.constant 2.71828175 : f32
    %mul3A_557 = vector.broadcast %mul3A_556 : f32 to vector<1x1024xf32>
    %mul3A_558 = arith.mulf %mul3A_557, %slice3A_555 : vector<1x1024xf32>
    %add3A_559 = arith.addf %broadcast_in_dim3A_554, %mul3A_558 : vector<1x1024xf32>
    %div3A_560 = arith.divf %add3A_559, %add3A_485 : vector<1x1024xf32>
    %swap3A_561 = arith.constant 4 : index
    %swap3A_562 = arith.constant 0 : index
    %swap3A_563 = vector.load %arg23[%swap3A_561, %swap3A_562] : memref<20x1024xf32, #tpu.memory_space<vmem>>, vector<1x1024xf32>
    tpu.vector_store %arg23[%swap3A_561, %swap3A_562], %div3A_560 {strides = array<i32>} : memref<20x1024xf32, #tpu.memory_space<vmem>>, vector<1x1024xf32>,
    %slice3A_564 = vector.extract_strided_slice %dot_general3A_549 {offsets = [64, 0], sizes = [64, 1024], strides = [1, 1]} : vector<256x1024xf32> to vector<64x1024xf32>
    %mul3A_565 = arith.mulf %select_n3A_480, %slice3A_564 : vector<64x1024xf32>
    %reduce_sum3A_566 = arith.constant dense<0.000000e+00> : vector<1024xf32>
    %reduce_sum3A_567 = vector.multi_reduction <add>, %mul3A_565, %reduce_sum3A_566 [0] : vector<64x1024xf32> to vector<1024xf32>
    %broadcast_in_dim3A_568 = vector.shape_cast %reduce_sum3A_567 : vector<1024xf32> to vector<1x1024xf32>
    %slice3A_569 = vector.extract_strided_slice %transpose3A_155 {offsets = [5, 0], sizes = [1, 1024], strides = [1, 1]} : vector<20x1024xf32> to vector<1x1024xf32>
    %mul3A_570 = arith.constant 2.71828175 : f32
    %mul3A_571 = vector.broadcast %mul3A_570 : f32 to vector<1x1024xf32>
    %mul3A_572 = arith.mulf %mul3A_571, %slice3A_569 : vector<1x1024xf32>
    %add3A_573 = arith.addf %broadcast_in_dim3A_568, %mul3A_572 : vector<1x1024xf32>
    %div3A_574 = arith.divf %add3A_573, %add3A_485 : vector<1x1024xf32>
    %swap3A_575 = arith.constant 5 : index
    %swap3A_576 = arith.constant 0 : index
    %swap3A_577 = vector.load %arg23[%swap3A_575, %swap3A_576] : memref<20x1024xf32, #tpu.memory_space<vmem>>, vector<1x1024xf32>
    tpu.vector_store %arg23[%swap3A_575, %swap3A_576], %div3A_574 {strides = array<i32>} : memref<20x1024xf32, #tpu.memory_space<vmem>>, vector<1x1024xf32>,
    %slice3A_578 = vector.extract_strided_slice %dot_general3A_549 {offsets = [128, 0], sizes = [64, 1024], strides = [1, 1]} : vector<256x1024xf32> to vector<64x1024xf32>
    %mul3A_579 = arith.mulf %select_n3A_480, %slice3A_578 : vector<64x1024xf32>
    %reduce_sum3A_580 = arith.constant dense<0.000000e+00> : vector<1024xf32>
    %reduce_sum3A_581 = vector.multi_reduction <add>, %mul3A_579, %reduce_sum3A_580 [0] : vector<64x1024xf32> to vector<1024xf32>
    %broadcast_in_dim3A_582 = vector.shape_cast %reduce_sum3A_581 : vector<1024xf32> to vector<1x1024xf32>
    %slice3A_583 = vector.extract_strided_slice %transpose3A_155 {offsets = [6, 0], sizes = [1, 1024], strides = [1, 1]} : vector<20x1024xf32> to vector<1x1024xf32>
    %mul3A_584 = arith.constant 2.71828175 : f32
    %mul3A_585 = vector.broadcast %mul3A_584 : f32 to vector<1x1024xf32>
    %mul3A_586 = arith.mulf %mul3A_585, %slice3A_583 : vector<1x1024xf32>
    %add3A_587 = arith.addf %broadcast_in_dim3A_582, %mul3A_586 : vector<1x1024xf32>
    %div3A_588 = arith.divf %add3A_587, %add3A_485 : vector<1x1024xf32>
    %swap3A_589 = arith.constant 6 : index
    %swap3A_590 = arith.constant 0 : index
    %swap3A_591 = vector.load %arg23[%swap3A_589, %swap3A_590] : memref<20x1024xf32, #tpu.memory_space<vmem>>, vector<1x1024xf32>
    tpu.vector_store %arg23[%swap3A_589, %swap3A_590], %div3A_588 {strides = array<i32>} : memref<20x1024xf32, #tpu.memory_space<vmem>>, vector<1x1024xf32>,
    %slice3A_592 = vector.extract_strided_slice %dot_general3A_549 {offsets = [192, 0], sizes = [64, 1024], strides = [1, 1]} : vector<256x1024xf32> to vector<64x1024xf32>
    %mul3A_593 = arith.mulf %select_n3A_480, %slice3A_592 : vector<64x1024xf32>
    %reduce_sum3A_594 = arith.constant dense<0.000000e+00> : vector<1024xf32>
    %reduce_sum3A_595 = vector.multi_reduction <add>, %mul3A_593, %reduce_sum3A_594 [0] : vector<64x1024xf32> to vector<1024xf32>
    %broadcast_in_dim3A_596 = vector.shape_cast %reduce_sum3A_595 : vector<1024xf32> to vector<1x1024xf32>
    %slice3A_597 = vector.extract_strided_slice %transpose3A_155 {offsets = [7, 0], sizes = [1, 1024], strides = [1, 1]} : vector<20x1024xf32> to vector<1x1024xf32>
    %mul3A_598 = arith.constant 2.71828175 : f32
    %mul3A_599 = vector.broadcast %mul3A_598 : f32 to vector<1x1024xf32>
    %mul3A_600 = arith.mulf %mul3A_599, %slice3A_597 : vector<1x1024xf32>
    %add3A_601 = arith.addf %broadcast_in_dim3A_596, %mul3A_600 : vector<1x1024xf32>
    %div3A_602 = arith.divf %add3A_601, %add3A_485 : vector<1x1024xf32>
    %swap3A_603 = arith.constant 7 : index
    %swap3A_604 = arith.constant 0 : index
    %swap3A_605 = vector.load %arg23[%swap3A_603, %swap3A_604] : memref<20x1024xf32, #tpu.memory_space<vmem>>, vector<1x1024xf32>
    tpu.vector_store %arg23[%swap3A_603, %swap3A_604], %div3A_602 {strides = array<i32>} : memref<20x1024xf32, #tpu.memory_space<vmem>>, vector<1x1024xf32>,
    %get3A_606 = arith.constant 512 : index
    %get3A_607 = arith.constant 0 : index
    %get3A_608 = vector.load %arg8[%get3A_606, %get3A_607] : memref<1280x64xf32, #tpu.memory_space<vmem>>, vector<256x64xf32>
    %dot_general3A_609 = arith.constant dense<0.000000e+00> : vector<256x1024xf32>
    %dot_general3A_610 = tpu.matmul %get3A_608, %convert_element_type3A_160, %dot_general3A_609 {dimension_numbers = #tpu.dot_dimension_numbers<[1], [0], [0], [1], [0, 0, 1, 1], [], []>, precision = #tpu.contract_precision<fp32>, transpose_lhs_hint = false} : vector<256x64xf32>, vector<64x1024xf32>, vector<256x1024xf32> -> vector<256x1024xf32>
    %slice3A_611 = vector.extract_strided_slice %dot_general3A_610 {offsets = [0, 0], sizes = [64, 1024], strides = [1, 1]} : vector<256x1024xf32> to vector<64x1024xf32>
    %mul3A_612 = arith.mulf %select_n3A_480, %slice3A_611 : vector<64x1024xf32>
    %reduce_sum3A_613 = arith.constant dense<0.000000e+00> : vector<1024xf32>
    %reduce_sum3A_614 = vector.multi_reduction <add>, %mul3A_612, %reduce_sum3A_613 [0] : vector<64x1024xf32> to vector<1024xf32>
    %broadcast_in_dim3A_615 = vector.shape_cast %reduce_sum3A_614 : vector<1024xf32> to vector<1x1024xf32>
    %slice3A_616 = vector.extract_strided_slice %transpose3A_155 {offsets = [8, 0], sizes = [1, 1024], strides = [1, 1]} : vector<20x1024xf32> to vector<1x1024xf32>
    %mul3A_617 = arith.constant 2.71828175 : f32
    %mul3A_618 = vector.broadcast %mul3A_617 : f32 to vector<1x1024xf32>
    %mul3A_619 = arith.mulf %mul3A_618, %slice3A_616 : vector<1x1024xf32>
    %add3A_620 = arith.addf %broadcast_in_dim3A_615, %mul3A_619 : vector<1x1024xf32>
    %div3A_621 = arith.divf %add3A_620, %add3A_485 : vector<1x1024xf32>
    %swap3A_622 = arith.constant 8 : index
    %swap3A_623 = arith.constant 0 : index
    %swap3A_624 = vector.load %arg23[%swap3A_622, %swap3A_623] : memref<20x1024xf32, #tpu.memory_space<vmem>>, vector<1x1024xf32>
    tpu.vector_store %arg23[%swap3A_622, %swap3A_623], %div3A_621 {strides = array<i32>} : memref<20x1024xf32, #tpu.memory_space<vmem>>, vector<1x1024xf32>,
    %slice3A_625 = vector.extract_strided_slice %dot_general3A_610 {offsets = [64, 0], sizes = [64, 1024], strides = [1, 1]} : vector<256x1024xf32> to vector<64x1024xf32>
    %mul3A_626 = arith.mulf %select_n3A_480, %slice3A_625 : vector<64x1024xf32>
    %reduce_sum3A_627 = arith.constant dense<0.000000e+00> : vector<1024xf32>
    %reduce_sum3A_628 = vector.multi_reduction <add>, %mul3A_626, %reduce_sum3A_627 [0] : vector<64x1024xf32> to vector<1024xf32>
    %broadcast_in_dim3A_629 = vector.shape_cast %reduce_sum3A_628 : vector<1024xf32> to vector<1x1024xf32>
    %slice3A_630 = vector.extract_strided_slice %transpose3A_155 {offsets = [9, 0], sizes = [1, 1024], strides = [1, 1]} : vector<20x1024xf32> to vector<1x1024xf32>
    %mul3A_631 = arith.constant 2.71828175 : f32
    %mul3A_632 = vector.broadcast %mul3A_631 : f32 to vector<1x1024xf32>
    %mul3A_633 = arith.mulf %mul3A_632, %slice3A_630 : vector<1x1024xf32>
    %add3A_634 = arith.addf %broadcast_in_dim3A_629, %mul3A_633 : vector<1x1024xf32>
    %div3A_635 = arith.divf %add3A_634, %add3A_485 : vector<1x1024xf32>
    %swap3A_636 = arith.constant 9 : index
    %swap3A_637 = arith.constant 0 : index
    %swap3A_638 = vector.load %arg23[%swap3A_636, %swap3A_637] : memref<20x1024xf32, #tpu.memory_space<vmem>>, vector<1x1024xf32>
    tpu.vector_store %arg23[%swap3A_636, %swap3A_637], %div3A_635 {strides = array<i32>} : memref<20x1024xf32, #tpu.memory_space<vmem>>, vector<1x1024xf32>,
    %slice3A_639 = vector.extract_strided_slice %dot_general3A_610 {offsets = [128, 0], sizes = [64, 1024], strides = [1, 1]} : vector<256x1024xf32> to vector<64x1024xf32>
    %mul3A_640 = arith.mulf %select_n3A_480, %slice3A_639 : vector<64x1024xf32>
    %reduce_sum3A_641 = arith.constant dense<0.000000e+00> : vector<1024xf32>
    %reduce_sum3A_642 = vector.multi_reduction <add>, %mul3A_640, %reduce_sum3A_641 [0] : vector<64x1024xf32> to vector<1024xf32>
    %broadcast_in_dim3A_643 = vector.shape_cast %reduce_sum3A_642 : vector<1024xf32> to vector<1x1024xf32>
    %slice3A_644 = vector.extract_strided_slice %transpose3A_155 {offsets = [10, 0], sizes = [1, 1024], strides = [1, 1]} : vector<20x1024xf32> to vector<1x1024xf32>
    %mul3A_645 = arith.constant 2.71828175 : f32
    %mul3A_646 = vector.broadcast %mul3A_645 : f32 to vector<1x1024xf32>
    %mul3A_647 = arith.mulf %mul3A_646, %slice3A_644 : vector<1x1024xf32>
    %add3A_648 = arith.addf %broadcast_in_dim3A_643, %mul3A_647 : vector<1x1024xf32>
    %div3A_649 = arith.divf %add3A_648, %add3A_485 : vector<1x1024xf32>
    %swap3A_650 = arith.constant 10 : index
    %swap3A_651 = arith.constant 0 : index
    %swap3A_652 = vector.load %arg23[%swap3A_650, %swap3A_651] : memref<20x1024xf32, #tpu.memory_space<vmem>>, vector<1x1024xf32>
    tpu.vector_store %arg23[%swap3A_650, %swap3A_651], %div3A_649 {strides = array<i32>} : memref<20x1024xf32, #tpu.memory_space<vmem>>, vector<1x1024xf32>,
    %slice3A_653 = vector.extract_strided_slice %dot_general3A_610 {offsets = [192, 0], sizes = [64, 1024], strides = [1, 1]} : vector<256x1024xf32> to vector<64x1024xf32>
    %mul3A_654 = arith.mulf %select_n3A_480, %slice3A_653 : vector<64x1024xf32>
    %reduce_sum3A_655 = arith.constant dense<0.000000e+00> : vector<1024xf32>
    %reduce_sum3A_656 = vector.multi_reduction <add>, %mul3A_654, %reduce_sum3A_655 [0] : vector<64x1024xf32> to vector<1024xf32>
    %broadcast_in_dim3A_657 = vector.shape_cast %reduce_sum3A_656 : vector<1024xf32> to vector<1x1024xf32>
    %slice3A_658 = vector.extract_strided_slice %transpose3A_155 {offsets = [11, 0], sizes = [1, 1024], strides = [1, 1]} : vector<20x1024xf32> to vector<1x1024xf32>
    %mul3A_659 = arith.constant 2.71828175 : f32
    %mul3A_660 = vector.broadcast %mul3A_659 : f32 to vector<1x1024xf32>
    %mul3A_661 = arith.mulf %mul3A_660, %slice3A_658 : vector<1x1024xf32>
    %add3A_662 = arith.addf %broadcast_in_dim3A_657, %mul3A_661 : vector<1x1024xf32>
    %div3A_663 = arith.divf %add3A_662, %add3A_485 : vector<1x1024xf32>
    %swap3A_664 = arith.constant 11 : index
    %swap3A_665 = arith.constant 0 : index
    %swap3A_666 = vector.load %arg23[%swap3A_664, %swap3A_665] : memref<20x1024xf32, #tpu.memory_space<vmem>>, vector<1x1024xf32>
    tpu.vector_store %arg23[%swap3A_664, %swap3A_665], %div3A_663 {strides = array<i32>} : memref<20x1024xf32, #tpu.memory_space<vmem>>, vector<1x1024xf32>,
    %get3A_667 = arith.constant 768 : index
    %get3A_668 = arith.constant 0 : index
    %get3A_669 = vector.load %arg8[%get3A_667, %get3A_668] : memref<1280x64xf32, #tpu.memory_space<vmem>>, vector<256x64xf32>
    %dot_general3A_670 = arith.constant dense<0.000000e+00> : vector<256x1024xf32>
    %dot_general3A_671 = tpu.matmul %get3A_669, %convert_element_type3A_160, %dot_general3A_670 {dimension_numbers = #tpu.dot_dimension_numbers<[1], [0], [0], [1], [0, 0, 1, 1], [], []>, precision = #tpu.contract_precision<fp32>, transpose_lhs_hint = false} : vector<256x64xf32>, vector<64x1024xf32>, vector<256x1024xf32> -> vector<256x1024xf32>
    %slice3A_672 = vector.extract_strided_slice %dot_general3A_671 {offsets = [0, 0], sizes = [64, 1024], strides = [1, 1]} : vector<256x1024xf32> to vector<64x1024xf32>
    %mul3A_673 = arith.mulf %select_n3A_480, %slice3A_672 : vector<64x1024xf32>
    %reduce_sum3A_674 = arith.constant dense<0.000000e+00> : vector<1024xf32>
    %reduce_sum3A_675 = vector.multi_reduction <add>, %mul3A_673, %reduce_sum3A_674 [0] : vector<64x1024xf32> to vector<1024xf32>
    %broadcast_in_dim3A_676 = vector.shape_cast %reduce_sum3A_675 : vector<1024xf32> to vector<1x1024xf32>
    %slice3A_677 = vector.extract_strided_slice %transpose3A_155 {offsets = [12, 0], sizes = [1, 1024], strides = [1, 1]} : vector<20x1024xf32> to vector<1x1024xf32>
    %mul3A_678 = arith.constant 2.71828175 : f32
    %mul3A_679 = vector.broadcast %mul3A_678 : f32 to vector<1x1024xf32>
    %mul3A_680 = arith.mulf %mul3A_679, %slice3A_677 : vector<1x1024xf32>
    %add3A_681 = arith.addf %broadcast_in_dim3A_676, %mul3A_680 : vector<1x1024xf32>
    %div3A_682 = arith.divf %add3A_681, %add3A_485 : vector<1x1024xf32>
    %swap3A_683 = arith.constant 12 : index
    %swap3A_684 = arith.constant 0 : index
    %swap3A_685 = vector.load %arg23[%swap3A_683, %swap3A_684] : memref<20x1024xf32, #tpu.memory_space<vmem>>, vector<1x1024xf32>
    tpu.vector_store %arg23[%swap3A_683, %swap3A_684], %div3A_682 {strides = array<i32>} : memref<20x1024xf32, #tpu.memory_space<vmem>>, vector<1x1024xf32>,
    %slice3A_686 = vector.extract_strided_slice %dot_general3A_671 {offsets = [64, 0], sizes = [64, 1024], strides = [1, 1]} : vector<256x1024xf32> to vector<64x1024xf32>
    %mul3A_687 = arith.mulf %select_n3A_480, %slice3A_686 : vector<64x1024xf32>
    %reduce_sum3A_688 = arith.constant dense<0.000000e+00> : vector<1024xf32>
    %reduce_sum3A_689 = vector.multi_reduction <add>, %mul3A_687, %reduce_sum3A_688 [0] : vector<64x1024xf32> to vector<1024xf32>
    %broadcast_in_dim3A_690 = vector.shape_cast %reduce_sum3A_689 : vector<1024xf32> to vector<1x1024xf32>
    %slice3A_691 = vector.extract_strided_slice %transpose3A_155 {offsets = [13, 0], sizes = [1, 1024], strides = [1, 1]} : vector<20x1024xf32> to vector<1x1024xf32>
    %mul3A_692 = arith.constant 2.71828175 : f32
    %mul3A_693 = vector.broadcast %mul3A_692 : f32 to vector<1x1024xf32>
    %mul3A_694 = arith.mulf %mul3A_693, %slice3A_691 : vector<1x1024xf32>
    %add3A_695 = arith.addf %broadcast_in_dim3A_690, %mul3A_694 : vector<1x1024xf32>
    %div3A_696 = arith.divf %add3A_695, %add3A_485 : vector<1x1024xf32>
    %swap3A_697 = arith.constant 13 : index
    %swap3A_698 = arith.constant 0 : index
    %swap3A_699 = vector.load %arg23[%swap3A_697, %swap3A_698] : memref<20x1024xf32, #tpu.memory_space<vmem>>, vector<1x1024xf32>
    tpu.vector_store %arg23[%swap3A_697, %swap3A_698], %div3A_696 {strides = array<i32>} : memref<20x1024xf32, #tpu.memory_space<vmem>>, vector<1x1024xf32>,
    %slice3A_700 = vector.extract_strided_slice %dot_general3A_671 {offsets = [128, 0], sizes = [64, 1024], strides = [1, 1]} : vector<256x1024xf32> to vector<64x1024xf32>
    %mul3A_701 = arith.mulf %select_n3A_480, %slice3A_700 : vector<64x1024xf32>
    %reduce_sum3A_702 = arith.constant dense<0.000000e+00> : vector<1024xf32>
    %reduce_sum3A_703 = vector.multi_reduction <add>, %mul3A_701, %reduce_sum3A_702 [0] : vector<64x1024xf32> to vector<1024xf32>
    %broadcast_in_dim3A_704 = vector.shape_cast %reduce_sum3A_703 : vector<1024xf32> to vector<1x1024xf32>
    %slice3A_705 = vector.extract_strided_slice %transpose3A_155 {offsets = [14, 0], sizes = [1, 1024], strides = [1, 1]} : vector<20x1024xf32> to vector<1x1024xf32>
    %mul3A_706 = arith.constant 2.71828175 : f32
    %mul3A_707 = vector.broadcast %mul3A_706 : f32 to vector<1x1024xf32>
    %mul3A_708 = arith.mulf %mul3A_707, %slice3A_705 : vector<1x1024xf32>
    %add3A_709 = arith.addf %broadcast_in_dim3A_704, %mul3A_708 : vector<1x1024xf32>
    %div3A_710 = arith.divf %add3A_709, %add3A_485 : vector<1x1024xf32>
    %swap3A_711 = arith.constant 14 : index
    %swap3A_712 = arith.constant 0 : index
    %swap3A_713 = vector.load %arg23[%swap3A_711, %swap3A_712] : memref<20x1024xf32, #tpu.memory_space<vmem>>, vector<1x1024xf32>
    tpu.vector_store %arg23[%swap3A_711, %swap3A_712], %div3A_710 {strides = array<i32>} : memref<20x1024xf32, #tpu.memory_space<vmem>>, vector<1x1024xf32>,
    %slice3A_714 = vector.extract_strided_slice %dot_general3A_671 {offsets = [192, 0], sizes = [64, 1024], strides = [1, 1]} : vector<256x1024xf32> to vector<64x1024xf32>
    %mul3A_715 = arith.mulf %select_n3A_480, %slice3A_714 : vector<64x1024xf32>
    %reduce_sum3A_716 = arith.constant dense<0.000000e+00> : vector<1024xf32>
    %reduce_sum3A_717 = vector.multi_reduction <add>, %mul3A_715, %reduce_sum3A_716 [0] : vector<64x1024xf32> to vector<1024xf32>
    %broadcast_in_dim3A_718 = vector.shape_cast %reduce_sum3A_717 : vector<1024xf32> to vector<1x1024xf32>
    %slice3A_719 = vector.extract_strided_slice %transpose3A_155 {offsets = [15, 0], sizes = [1, 1024], strides = [1, 1]} : vector<20x1024xf32> to vector<1x1024xf32>
    %mul3A_720 = arith.constant 2.71828175 : f32
    %mul3A_721 = vector.broadcast %mul3A_720 : f32 to vector<1x1024xf32>
    %mul3A_722 = arith.mulf %mul3A_721, %slice3A_719 : vector<1x1024xf32>
    %add3A_723 = arith.addf %broadcast_in_dim3A_718, %mul3A_722 : vector<1x1024xf32>
    %div3A_724 = arith.divf %add3A_723, %add3A_485 : vector<1x1024xf32>
    %swap3A_725 = arith.constant 15 : index
    %swap3A_726 = arith.constant 0 : index
    %swap3A_727 = vector.load %arg23[%swap3A_725, %swap3A_726] : memref<20x1024xf32, #tpu.memory_space<vmem>>, vector<1x1024xf32>
    tpu.vector_store %arg23[%swap3A_725, %swap3A_726], %div3A_724 {strides = array<i32>} : memref<20x1024xf32, #tpu.memory_space<vmem>>, vector<1x1024xf32>,
    %get3A_728 = arith.constant 1024 : index
    %get3A_729 = arith.constant 0 : index
    %get3A_730 = vector.load %arg8[%get3A_728, %get3A_729] : memref<1280x64xf32, #tpu.memory_space<vmem>>, vector<256x64xf32>
    %dot_general3A_731 = arith.constant dense<0.000000e+00> : vector<256x1024xf32>
    %dot_general3A_732 = tpu.matmul %get3A_730, %convert_element_type3A_160, %dot_general3A_731 {dimension_numbers = #tpu.dot_dimension_numbers<[1], [0], [0], [1], [0, 0, 1, 1], [], []>, precision = #tpu.contract_precision<fp32>, transpose_lhs_hint = false} : vector<256x64xf32>, vector<64x1024xf32>, vector<256x1024xf32> -> vector<256x1024xf32>
    %slice3A_733 = vector.extract_strided_slice %dot_general3A_732 {offsets = [0, 0], sizes = [64, 1024], strides = [1, 1]} : vector<256x1024xf32> to vector<64x1024xf32>
    %mul3A_734 = arith.mulf %select_n3A_480, %slice3A_733 : vector<64x1024xf32>
    %reduce_sum3A_735 = arith.constant dense<0.000000e+00> : vector<1024xf32>
    %reduce_sum3A_736 = vector.multi_reduction <add>, %mul3A_734, %reduce_sum3A_735 [0] : vector<64x1024xf32> to vector<1024xf32>
    %broadcast_in_dim3A_737 = vector.shape_cast %reduce_sum3A_736 : vector<1024xf32> to vector<1x1024xf32>
    %slice3A_738 = vector.extract_strided_slice %transpose3A_155 {offsets = [16, 0], sizes = [1, 1024], strides = [1, 1]} : vector<20x1024xf32> to vector<1x1024xf32>
    %mul3A_739 = arith.constant 2.71828175 : f32
    %mul3A_740 = vector.broadcast %mul3A_739 : f32 to vector<1x1024xf32>
    %mul3A_741 = arith.mulf %mul3A_740, %slice3A_738 : vector<1x1024xf32>
    %add3A_742 = arith.addf %broadcast_in_dim3A_737, %mul3A_741 : vector<1x1024xf32>
    %div3A_743 = arith.divf %add3A_742, %add3A_485 : vector<1x1024xf32>
    %swap3A_744 = arith.constant 16 : index
    %swap3A_745 = arith.constant 0 : index
    %swap3A_746 = vector.load %arg23[%swap3A_744, %swap3A_745] : memref<20x1024xf32, #tpu.memory_space<vmem>>, vector<1x1024xf32>
    tpu.vector_store %arg23[%swap3A_744, %swap3A_745], %div3A_743 {strides = array<i32>} : memref<20x1024xf32, #tpu.memory_space<vmem>>, vector<1x1024xf32>,
    %slice3A_747 = vector.extract_strided_slice %dot_general3A_732 {offsets = [64, 0], sizes = [64, 1024], strides = [1, 1]} : vector<256x1024xf32> to vector<64x1024xf32>
    %mul3A_748 = arith.mulf %select_n3A_480, %slice3A_747 : vector<64x1024xf32>
    %reduce_sum3A_749 = arith.constant dense<0.000000e+00> : vector<1024xf32>
    %reduce_sum3A_750 = vector.multi_reduction <add>, %mul3A_748, %reduce_sum3A_749 [0] : vector<64x1024xf32> to vector<1024xf32>
    %broadcast_in_dim3A_751 = vector.shape_cast %reduce_sum3A_750 : vector<1024xf32> to vector<1x1024xf32>
    %slice3A_752 = vector.extract_strided_slice %transpose3A_155 {offsets = [17, 0], sizes = [1, 1024], strides = [1, 1]} : vector<20x1024xf32> to vector<1x1024xf32>
    %mul3A_753 = arith.constant 2.71828175 : f32
    %mul3A_754 = vector.broadcast %mul3A_753 : f32 to vector<1x1024xf32>
    %mul3A_755 = arith.mulf %mul3A_754, %slice3A_752 : vector<1x1024xf32>
    %add3A_756 = arith.addf %broadcast_in_dim3A_751, %mul3A_755 : vector<1x1024xf32>
    %div3A_757 = arith.divf %add3A_756, %add3A_485 : vector<1x1024xf32>
    %swap3A_758 = arith.constant 17 : index
    %swap3A_759 = arith.constant 0 : index
    %swap3A_760 = vector.load %arg23[%swap3A_758, %swap3A_759] : memref<20x1024xf32, #tpu.memory_space<vmem>>, vector<1x1024xf32>
    tpu.vector_store %arg23[%swap3A_758, %swap3A_759], %div3A_757 {strides = array<i32>} : memref<20x1024xf32, #tpu.memory_space<vmem>>, vector<1x1024xf32>,
    %slice3A_761 = vector.extract_strided_slice %dot_general3A_732 {offsets = [128, 0], sizes = [64, 1024], strides = [1, 1]} : vector<256x1024xf32> to vector<64x1024xf32>
    %mul3A_762 = arith.mulf %select_n3A_480, %slice3A_761 : vector<64x1024xf32>
    %reduce_sum3A_763 = arith.constant dense<0.000000e+00> : vector<1024xf32>
    %reduce_sum3A_764 = vector.multi_reduction <add>, %mul3A_762, %reduce_sum3A_763 [0] : vector<64x1024xf32> to vector<1024xf32>
    %broadcast_in_dim3A_765 = vector.shape_cast %reduce_sum3A_764 : vector<1024xf32> to vector<1x1024xf32>
    %slice3A_766 = vector.extract_strided_slice %transpose3A_155 {offsets = [18, 0], sizes = [1, 1024], strides = [1, 1]} : vector<20x1024xf32> to vector<1x1024xf32>
    %mul3A_767 = arith.constant 2.71828175 : f32
    %mul3A_768 = vector.broadcast %mul3A_767 : f32 to vector<1x1024xf32>
    %mul3A_769 = arith.mulf %mul3A_768, %slice3A_766 : vector<1x1024xf32>
    %add3A_770 = arith.addf %broadcast_in_dim3A_765, %mul3A_769 : vector<1x1024xf32>
    %div3A_771 = arith.divf %add3A_770, %add3A_485 : vector<1x1024xf32>
    %swap3A_772 = arith.constant 18 : index
    %swap3A_773 = arith.constant 0 : index
    %swap3A_774 = vector.load %arg23[%swap3A_772, %swap3A_773] : memref<20x1024xf32, #tpu.memory_space<vmem>>, vector<1x1024xf32>
    tpu.vector_store %arg23[%swap3A_772, %swap3A_773], %div3A_771 {strides = array<i32>} : memref<20x1024xf32, #tpu.memory_space<vmem>>, vector<1x1024xf32>,
    %slice3A_775 = vector.extract_strided_slice %dot_general3A_732 {offsets = [192, 0], sizes = [64, 1024], strides = [1, 1]} : vector<256x1024xf32> to vector<64x1024xf32>
    %mul3A_776 = arith.mulf %select_n3A_480, %slice3A_775 : vector<64x1024xf32>
    %reduce_sum3A_777 = arith.constant dense<0.000000e+00> : vector<1024xf32>
    %reduce_sum3A_778 = vector.multi_reduction <add>, %mul3A_776, %reduce_sum3A_777 [0] : vector<64x1024xf32> to vector<1024xf32>
    %broadcast_in_dim3A_779 = vector.shape_cast %reduce_sum3A_778 : vector<1024xf32> to vector<1x1024xf32>
    %slice3A_780 = vector.extract_strided_slice %transpose3A_155 {offsets = [19, 0], sizes = [1, 1024], strides = [1, 1]} : vector<20x1024xf32> to vector<1x1024xf32>
    %mul3A_781 = arith.constant 2.71828175 : f32
    %mul3A_782 = vector.broadcast %mul3A_781 : f32 to vector<1x1024xf32>
    %mul3A_783 = arith.mulf %mul3A_782, %slice3A_780 : vector<1x1024xf32>
    %add3A_784 = arith.addf %broadcast_in_dim3A_779, %mul3A_783 : vector<1x1024xf32>
    %div3A_785 = arith.divf %add3A_784, %add3A_485 : vector<1x1024xf32>
    %swap3A_786 = arith.constant 19 : index
    %swap3A_787 = arith.constant 0 : index
    %swap3A_788 = vector.load %arg23[%swap3A_786, %swap3A_787] : memref<20x1024xf32, #tpu.memory_space<vmem>>, vector<1x1024xf32>
    tpu.vector_store %arg23[%swap3A_786, %swap3A_787], %div3A_785 {strides = array<i32>} : memref<20x1024xf32, #tpu.memory_space<vmem>>, vector<1x1024xf32>,
    return
  }
  func.func @transform_0(%arg0: i32) -> (i32, i32) {
    %ge3A = arith.constant 4 : i32
    %ge3A_0 = arith.cmpi sge, %arg0, %ge3A : i32
    %sub3A = arith.constant 4 : i32
    %sub3A_1 = arith.subi %arg0, %sub3A : i32
    %select_n3A = arith.select %ge3A_0, %sub3A_1, %arg0 : i32
    %c0_i32 = arith.constant 0 : i32
    %c0_i32_2 = arith.constant 0 : i32
    return %select_n3A, %c0_i32 : i32, i32
  }
  func.func @transform_1(%arg0: i32) -> (i32, i32) {
    %ge3A = arith.constant 3 : i32
    %ge3A_0 = arith.cmpi sge, %arg0, %ge3A : i32
    %sub3A = arith.constant 3 : i32
    %sub3A_1 = arith.subi %arg0, %sub3A : i32
    %select_n3A = arith.select %ge3A_0, %sub3A_1, %arg0 : i32
    %c0_i32 = arith.constant 0 : i32
    %c0_i32_2 = arith.constant 0 : i32
    return %select_n3A, %c0_i32 : i32, i32
  }
  func.func @transform_2(%arg0: i32) -> (i32, i32) {
    %ge3A = arith.constant 2 : i32
    %ge3A_0 = arith.cmpi sge, %arg0, %ge3A : i32
    %sub3A = arith.constant 2 : i32
    %sub3A_1 = arith.subi %arg0, %sub3A : i32
    %select_n3A = arith.select %ge3A_0, %sub3A_1, %arg0 : i32
    %c0_i32 = arith.constant 0 : i32
    %c0_i32_2 = arith.constant 0 : i32
    return %select_n3A, %c0_i32 : i32, i32
  }
  func.func @transform_3(%arg0: i32) -> (i32, i32) {
    %ge3A = arith.constant 1 : i32
    %ge3A_0 = arith.cmpi sge, %arg0, %ge3A : i32
    %sub3A = arith.constant 1 : i32
    %sub3A_1 = arith.subi %arg0, %sub3A : i32
    %select_n3A = arith.select %ge3A_0, %sub3A_1, %arg0 : i32
    %c0_i32 = arith.constant 0 : i32
    %c0_i32_2 = arith.constant 0 : i32
    return %select_n3A, %c0_i32 : i32, i32
  }
  func.func @transform_4(%arg0: i32) -> (i32, i32) {
    %ge3A = arith.constant 0 : i32
    %ge3A_0 = arith.cmpi sge, %arg0, %ge3A : i32
    %sub3A = arith.constant 0 : i32
    %sub3A_1 = arith.subi %arg0, %sub3A : i32
    %select_n3A = arith.select %ge3A_0, %sub3A_1, %arg0 : i32
    %c0_i32 = arith.constant 0 : i32
    %c0_i32_2 = arith.constant 0 : i32
    return %select_n3A, %c0_i32 : i32, i32
  }
  func.func @transform_5(%arg0: i32) -> (i32, i32) {
    %c0_i32 = arith.constant 0 : i32
    %c0_i32_0 = arith.constant 0 : i32
    return %arg0, %c0_i32 : i32, i32
  }
  func.func @transform_6(%arg0: i32) -> (i32, i32) {
    %c0_i32 = arith.constant 0 : i32
    %c0_i32_0 = arith.constant 0 : i32
    %c0_i32_1 = arith.constant 0 : i32
    return %c0_i32, %c0_i32_0 : i32, i32
  }
  func.func @transform_7(%arg0: i32) -> (i32, i32) {
    %c0_i32 = arith.constant 0 : i32
    %c0_i32_0 = arith.constant 0 : i32
    %c0_i32_1 = arith.constant 0 : i32
    return %c0_i32, %c0_i32_0 : i32, i32
  }
  func.func @transform_8(%arg0: i32) -> (i32, i32) {
    %c0_i32 = arith.constant 0 : i32
    %c0_i32_0 = arith.constant 0 : i32
    %c0_i32_1 = arith.constant 0 : i32
    return %c0_i32, %c0_i32_0 : i32, i32
  }
  func.func @transform_9(%arg0: i32) -> (i32, i32) {
    %c0_i32 = arith.constant 0 : i32
    %c0_i32_0 = arith.constant 0 : i32
    %c0_i32_1 = arith.constant 0 : i32
    return %c0_i32, %c0_i32_0 : i32, i32
  }
  func.func @transform_10(%arg0: i32) -> (i32, i32) {
    %c0_i32 = arith.constant 0 : i32
    %c0_i32_0 = arith.constant 0 : i32
    %c0_i32_1 = arith.constant 0 : i32
    return %c0_i32, %c0_i32_0 : i32, i32
  }
  func.func @transform_11(%arg0: i32) -> (i32, i32) {
    %c0_i32 = arith.constant 0 : i32
    %c0_i32_0 = arith.constant 0 : i32
    %c0_i32_1 = arith.constant 0 : i32
    return %c0_i32, %c0_i32_0 : i32, i32
  }
  func.func @transform_12(%arg0: i32) -> (i32, i32) {
    %c0_i32 = arith.constant 0 : i32
    %c0_i32_0 = arith.constant 0 : i32
    %c0_i32_1 = arith.constant 0 : i32
    return %c0_i32, %c0_i32_0 : i32, i32
  }
  func.func @transform_13(%arg0: i32) -> (i32, i32) {
    %c0_i32 = arith.constant 0 : i32
    %c0_i32_0 = arith.constant 0 : i32
    %c0_i32_1 = arith.constant 0 : i32
    return %c0_i32, %c0_i32_0 : i32, i32
  }
  func.func @transform_14(%arg0: i32) -> (i32, i32) {
    %c0_i32 = arith.constant 0 : i32
    %c0_i32_0 = arith.constant 0 : i32
    %c0_i32_1 = arith.constant 0 : i32
    return %c0_i32, %c0_i32_0 : i32, i32
  }
  func.func @transform_15(%arg0: i32) -> (i32, i32) {
    %c0_i32 = arith.constant 0 : i32
    %c0_i32_0 = arith.constant 0 : i32
    %c0_i32_1 = arith.constant 0 : i32
    return %c0_i32, %c0_i32_0 : i32, i32
  }
  func.func @transform_16(%arg0: i32) -> (i32, i32) {
    %c0_i32 = arith.constant 0 : i32
    %c0_i32_0 = arith.constant 0 : i32
    %c0_i32_1 = arith.constant 0 : i32
    return %c0_i32, %c0_i32_0 : i32, i32
  }
  func.func @transform_17(%arg0: i32) -> (i32, i32) {
    %c0_i32 = arith.constant 0 : i32
    %c0_i32_0 = arith.constant 0 : i32
    %c0_i32_1 = arith.constant 0 : i32
    return %c0_i32, %c0_i32_0 : i32, i32
  }
  func.func @transform_18(%arg0: i32) -> (i32, i32) {
    %c0_i32 = arith.constant 0 : i32
    %c0_i32_0 = arith.constant 0 : i32
    %c0_i32_1 = arith.constant 0 : i32
    return %c0_i32, %c0_i32_0 : i32, i32
  }
  func.func @transform_19(%arg0: i32) -> (i32, i32) {
    %c0_i32 = arith.constant 0 : i32
    %c0_i32_0 = arith.constant 0 : i32
    %c0_i32_1 = arith.constant 0 : i32
    return %c0_i32, %c0_i32_0 : i32, i32
  }
  func.func @transform_20(%arg0: i32) -> (i32, i32) {
    %c0_i32 = arith.constant 0 : i32
    %c0_i32_0 = arith.constant 0 : i32
    %c0_i32_1 = arith.constant 0 : i32
    return %c0_i32, %c0_i32_0 : i32, i32
  }
  func.func @transform_21(%arg0: i32) -> (i32, i32) {
    %c0_i32 = arith.constant 0 : i32
    %c0_i32_0 = arith.constant 0 : i32
    %c0_i32_1 = arith.constant 0 : i32
    return %c0_i32, %c0_i32_0 : i32, i32
  }
  func.func @transform_22(%arg0: i32) -> (i32, i32) {
    %c0_i32 = arith.constant 0 : i32
    %c0_i32_0 = arith.constant 0 : i32
    return %c0_i32, %arg0 : i32, i32
  }
}

</mosaic_0001>

<sc_bundles>
// kernel: kernel.5.cloned.1.call-start
scs
__scs_entry_jumppad:
0x0: {  	(pc) =	sbr.rel $0x88, $3  }
0x1: {  	(tag) =	ssettag $0x0;
	lr =	simm.s32 $0x1  }
0x2: {  	[smem:$0x3F8F] =	sst lr;
	_ =	strace $0xD0000000  }
0x3: {  	_ = 	snop  }
0x4: {  	_ = 	snop  }
0x5: {  	_ = 	snop  }
0x6: {  	_ = 	snop  }
0x7: {  	_ = 	snop  }
__scs_overlays_trampoline_lowered:
0x8: {  	[smem:$0x3F9E] =	sst s0  }
0x9: {  	[smem:$0x3F9F] =	sst s1  }
0xa: {  	[smem:$0x3FA0] =	sst s2  }
0xb: {  	[smem:$0x3FA1] =	sst s3  }
0xc: {  	[smem:$0x3FA2] =	sst s4  }
0xd: {  	[smem:$0x3FA3] =	sst s5  }
0xe: {  	[smem:$0x3FA4] =	sst s6  }
0xf: {  	[smem:$0x3FA5] =	sst s7  }
0x10: {  	[smem:$0x3FA6] =	sst s8  }
0x11: {  	[smem:$0x3FA7] =	sst s9;
	s0 =	simm.s32 @!p0 $0x0  }
0x12: {  	s1 =	sld [smem:$0x3F8D];
	s0 =	simm.s32 @p0 $0x1  }
0x13: {  	[smem:$0x3FA8] =	sst s0;
	s0 =	simm.s32 @!p1 $0x0  }
0x14: {  	s2 =	sld [smem:$0x3F8C];
	s0 =	simm.s32 @p1 $0x1  }
0x15: {  	[smem:$0x3FA9] =	sst s0;
	s0 =	simm.s32 @!p2 $0x0  }
0x16: {  	s3 =	sld [smem:$0x3FDB];
	s0 =	simm.s32 @p2 $0x1  }
0x17: {  	s4 =	simm.s32 $0x1BF5;
	[smem:$0x3FAB] =	sst s0  }
0x18: {  	s0 =	sld [smem:$0x3F8E];
	_ =	swait.ge [sflag:s4], $0x0  }
0x19: {  	s7 =	sld [smem:$0x3F8F]  }
0x1a: {  	s8 =	sadd.s32 $0xFFFFE003, lr  }
0x1b: {  	s9 =	sadd.s32 $0xFFFFFEF7, lr;
	s5 =	simm.s32 $0xFFFFFFFF;
	p2 =	slt.u32 s8, $0xFFFFF086  }
0x1c: {  	p1 =	slt.u32 s9, $0xF7A;
	s5 =	simm.s32 @!p2 $0x0  }
0x1d: {  	s5 =	simm.s32 @p1 $0x1;
	p0 =	seq.s32 s7, s2  }
0x1e: {  	s7 =	smul.u32 @!p0 $0xF7A, s2;
	p2 =	seq.s32 @!p0 s5, $0x0  }
0x1f: {  	s9 =	smul.u32 $0xF7A, s1;
	s8 =	simm.s32 @!p0 $0x1BF5;
	p2 =	por !p2, p0  }
0x20: {  	[sflag:s8] =	ssyncset.s32 @!p0 $0xFFFFF086;
	s6 =	sadd.s32 @!p0 s3, s7;
	s7 =	simm.s32 @!p0 $0x108  }
0x21: {  	s3 =	sadd.s32 s3, s9;
	s6 =	sadd.s32 @!p0 $0x88, s6;
	s7 =	simm.s32 @p2 $0x1082  }
0x22: {  	[simem:s7], [sflag:s8] =	dma.local @!p0 [hbm:s6], $0xF7A  }
0x23: {  	s9 =	sor.u32 $0xD0000000, s2;
	s6 =	simm.s32 $0x108;
	_ =	swait.ge @!p0 [sflag:s8], $0x0  }
0x24: {  	s3 =	sadd.s32 $0x88, s3;
	s6 =	simm.s32 @!p1 $0x1082;
	[sflag:s4] =	ssyncset.s32 $0xFFFFF086  }
0x25: {  	[simem:s6], [sflag:s4] =	dma.local [hbm:s3], $0xF7A  }
0x26: {  	[smem:$0x3F8F] =	sst s1;
	(tag) =	ssettag s2;
	_ =	strace s9  }
0x27: {  	s1 =	sld [smem:$0x3F9F]  }
0x28: {  	s2 =	sld [smem:$0x3FA0]  }
0x29: {  	s4 =	sld [smem:$0x3FA2]  }
0x2a: {  	p0 =	seq.s32 s5, $0x0;
	s5 =	sld [smem:$0x3FA3]  }
0x2b: {  	s6 =	sld [smem:$0x3FA4]  }
0x2c: {  	s7 =	sld [smem:$0x3FA5]  }
0x2d: {  	s3 =	simm.s32 $0x108;
	s8 =	sld [smem:$0x3FA6]  }
0x2e: {  	s3 =	simm.s32 @!p0 $0x1082;
	s9 =	sld [smem:$0x3FA7]  }
0x2f: {  	lr =	sadd.s32 s0, s3;
	s0 =	sld [smem:$0x3F9E]  }
0x30: {  	s3 =	sld [smem:$0x3FA1]  }
0x31: {  	[smem:$0x3FAA] =	sst s10  }
0x32: {  	s10 =	sld [smem:$0x3FA8];
	_ =	sdelay $0x3  }
0x33: {  	p0 =	seq.s32 s10, $0x1;
	s10 =	sld [smem:$0x3FAA];
	_ =	sdelay $0x3  }
0x34: {  	[smem:$0x3FAA] =	sst s10  }
0x35: {  	s10 =	sld [smem:$0x3FA9];
	_ =	sdelay $0x3  }
0x36: {  	p1 =	seq.s32 s10, $0x1;
	s10 =	sld [smem:$0x3FAA];
	_ =	sdelay $0x3  }
0x37: {  	[smem:$0x3FAA] =	sst s10  }
0x38: {  	s10 =	sld [smem:$0x3FAB]  }
0x39: {  	_ = 	snop;
	(pc) =	sbr.ind lr, $3  }
0x3a: {  	_ = 	snop  }
0x3b: {  	_ = 	snop  }
0x3c: {  	p2 =	seq.s32 s10, $0x1;
	s10 =	sld [smem:$0x3FAA]  }
0x3d: {  	_ =	shalt  }
0x3e: {  	_ =	shalt  }
0x3f: {  	_ =	shalt  }
0x40: {  	_ =	shalt  }
0x41: {  	_ =	shalt  }
0x42: {  	_ =	shalt  }
0x43: {  	_ =	shalt  }
0x44: {  	_ =	shalt  }
0x45: {  	_ =	shalt  }
0x46: {  	_ =	shalt  }
0x47: {  	_ =	shalt  }
0x48: {  	_ =	shalt  }
0x49: {  	_ =	shalt  }
0x4a: {  	_ =	shalt  }
0x4b: {  	_ =	shalt  }
0x4c: {  	_ =	shalt  }
0x4d: {  	_ =	shalt  }
0x4e: {  	_ =	shalt  }
0x4f: {  	_ =	shalt  }
0x50: {  	_ =	shalt  }
0x51: {  	_ =	shalt  }
0x52: {  	_ =	shalt  }
0x53: {  	_ =	shalt  }
0x54: {  	_ =	shalt  }
0x55: {  	_ =	shalt  }
0x56: {  	_ =	shalt  }
0x57: {  	_ =	shalt  }
0x58: {  	_ =	shalt  }
0x59: {  	_ =	shalt  }
0x5a: {  	_ =	shalt  }
0x5b: {  	_ =	shalt  }
0x5c: {  	_ =	shalt  }
0x5d: {  	_ =	shalt  }
0x5e: {  	_ =	shalt  }
0x5f: {  	_ =	shalt  }
0x60: {  	_ =	shalt  }
0x61: {  	_ =	shalt  }
0x62: {  	_ =	shalt  }
0x63: {  	_ =	shalt  }
0x64: {  	_ =	shalt  }
0x65: {  	_ =	shalt  }
0x66: {  	_ =	shalt  }
0x67: {  	_ =	shalt  }
0x68: {  	_ =	shalt  }
0x69: {  	_ =	shalt  }
0x6a: {  	_ =	shalt  }
0x6b: {  	_ =	shalt  }
0x6c: {  	_ =	shalt  }
0x6d: {  	_ =	shalt  }
0x6e: {  	_ =	shalt  }
0x6f: {  	_ =	shalt  }
0x70: {  	_ =	shalt  }
0x71: {  	_ =	shalt  }
0x72: {  	_ =	shalt  }
0x73: {  	_ =	shalt  }
0x74: {  	_ =	shalt  }
0x75: {  	_ =	shalt  }
0x76: {  	_ =	shalt  }
0x77: {  	_ =	shalt  }
0x78: {  	_ =	shalt  }
0x79: {  	_ =	shalt  }
0x7a: {  	_ =	shalt  }
0x7b: {  	_ =	shalt  }
0x7c: {  	_ =	shalt  }
0x7d: {  	_ =	shalt  }
0x7e: {  	_ =	shalt  }
0x7f: {  	_ =	shalt  }
0x80: {  	_ =	shalt  }
0x81: {  	_ =	shalt  }
0x82: {  	_ =	shalt  }
0x83: {  	_ =	shalt  }
0x84: {  	_ =	shalt  }
0x85: {  	_ =	shalt  }
0x86: {  	_ =	shalt  }
0x87: {  	_ =	shalt  }
.Lfunc_end0:
.L_simem_size_0:
called_computation_lowered:
.L_overlay_start_0:
0x88: {  	s2 =	sld [smem:$0x3FD9]  }
0x89: {  	s3 =	sld [smem:$0x3FFE];
	_ =	sdelay $0x1  }
0x8a: {  	s1 =	srdreg.scid  }
0x8b: {  	s0 =	sand.u32 $0x1, s1  }
0x8c: {  	s17 =	sshll.u32 s0, $0xA;
	s2 =	sadd.s32 s3, s2  }
0x8d: {  	s2 =	sadd.s32 s2, s17  }
0x8e: {  	[smem:$0x3FB6] =	sst s2  }
0x8f: {  	_ = 	snop  }
0x90: {  	s2 =	sld [smem:$0x3FD0];
	(tm) =	ssettm $0x1  }
0x91: {  	s18 =	sld [smem:$0x3FFB];
	_ =	sdelay $0x3  }
0x92: {  	_ =	strace s18  }
0x93: {  	s3 =	sld [smem:$0x3FFC];
	_ =	sdelay $0x3  }
0x94: {  	_ =	strace s3  }
0x95: {  	s3 =	sld [smem:$0x3FFD];
	_ =	sdelay $0x3  }
0x96: {  	_ =	strace s3  }
0x97: {  	_ =	strace $0x8FFFFFFF  }
0x98: {  	s19 =	sld [smem:$0x3FDB];
	_ =	sdelay $0x1  }
0x99: {  	s4 =	simm.s32 $_scs_section_size  }
0x9a: {  	s5 =	simm.s32 $_size__tile_overlayer_lowered;
	s6 =	simm.s32 $_tile_overlayer_lowered  }
0x9b: {  	s22 =	simm.s32 $0x1BFF;
	s21 =	sshll.u32 s6, $0x1;
	s3 =	sadd.s32 s4, s19  }
0x9c: {  	s7 =	simm.s32 $0x0;
	s20 =	sshll.u32 s5, $0x1;
	s5 =	sadd.s32 s21, s3  }
0x9d: {  	[timem:s7], [sflag:s22] =	dma.local [hbm:s5], s20  }
0x9e: {  	_ =	swait.ge [sflag:s22], s20  }
0x9f: {  	s4 =	ssub.s32 $0x0, s20;
	[sflag:s22] =	ssyncset.done $0x0  }
0xa0: {  	[sflag:s22] =	ssyncadd.s32 s4;
	_ =	sdelay $0x1  }
0xa1: {  	s23 =	simm.s32 $0x1B8B  }
0xa2: {  	_ =	swait.ge [sflag:s23], $0x1  }
0xa3: {  	[sflag:s23] =	ssyncset.done $0x0  }
0xa4: {  	s25 =	simm.s32 $0x1B8E;
	s24 =	sld [smem:$0x3FFE];
	[sflag:s23] =	ssyncadd.s32 $0xFFFFFFFF  }
0xa5: {  	s26 =	simm.s32 $execute0_lowered;
	[smem:$0x3FD2] =	sst s25  }
0xa6: {  	s5 =	sshll.u32 s26, $0x1;
	_ =	strace $0x80000046;
	[dreg:$0x1] =	wrdreg $0xFFFFFFFF  }
0xa7: {  	s28 =	simm.s32 $_size_execute0_lowered;
	s3 =	sadd.s32 s3, s5;
	[dreg:$0x0] =	wrdreg $0x0  }
0xa8: {  	s5 =	sshll.u32 s28, $0x1;
	[dreg:$0x2] =	wrdreg s3  }
0xa9: {  	[dreg:$0x3] =	wrdreg s5  }
0xaa: {  	[dreg:$0x4] =	wrdreg $0xC0  }
0xab: {  	_ =	task [dreg:s7], $0x5FFFF  }
0xac: {  	[dreg:$0x1] =	wrdreg $0xFFFFFFFF  }
0xad: {  	[dreg:$0x0] =	wrdreg $0x60  }
0xae: {  	[dreg:$0x2] =	wrdreg s24  }
0xaf: {  	[dreg:$0x3] =	wrdreg s2  }
0xb0: {  	[dreg:$0x4] =	wrdreg $0x9  }
0xb1: {  	_ =	task.clear_ibuf [dreg:s7], $0x5FFFF;
	_ =	strace $0x90000046  }
0xb2: {  	s29 =	simm.s32 $0x9;
	_ =	strace $0x80000048  }
0xb3: {  	_ =	swait.ge [sflag:s29], $0x1  }
0xb4: {  	[sflag:s29] =	ssyncadd.s32 $0xFFFFFFFF  }
0xb5: {  	_ =	strace $0x90000048  }
0xb6: {  	_ =	sfence  }
0xb7: {  	s30 =	sld [smem:$0x0];
	_ =	sdelay $0x2  }
0xb8: {  	s31 =	sshll.u32 s1, $0xD;
	s1 =	sshrl.u32 s1, $0x2  }
0xb9: {  	s3 =	sand.u32 $0x4000, s31;
	s1 =	sadd.s32 s1, s30  }
0xba: {  	s0 =	sor.u32 s3, s0;
	s1 =	sshll.u32 s1, $0x11  }
0xbb: {  	s0 =	sor.u32 s1, s0  }
0xbc: {  	s0 =	sadd.s32 $0x8F2B, s0  }
0xbd: {  	[sflag:s0] =	ssyncadd.remote.s32 $0x1  }
0xbe: {  	_ =	sfence.sel $0xFFFF  }
0xbf: {  	[dreg:$0x0] =	wrdreg $0xFFFFFFFF;
	(pc) =	sbr.abs _section_cstart, $3  }
0xc0: {  	[dreg:$0x1] =	wrdreg $0xFFFFFFFF  }
0xc1: {  	_ =	task.clear_ibuf [dreg:s7], $0x2FFFF;
	_ =	strace $0x9FFFFFFF  }
0xc2: {  	(tm) =	ssettm $0x7FFFFFFF  }
0xc3: {  	_ =	shalt  }
tec
execute0_lowered:
.L_overlay_start_1:
0x0: {  	(tag) =	ssettag $0x1  }
0x1: {  	s1 =	srdreg.scid;
	s0 =	stileid.u32  }
0x2: {  	s21 =	sand.u32 $0x1, s1;
	s29 =	sshll.u32 s0, $0x1  }
0x3: {  	s19 =	rddreg [dreg:$0x0];
	s24 =	sor.u32 s21, s29  }
0x4: {  	s23 =	rddreg [dreg:$0x1];
	s16 =	smul.u32 $0x640, s24  }
0x5: {  	s2 =	simm.s32 $0x0;
	s1 =	rddreg [dreg:$0x2]  }
0x6: {  	[smem:$0x7FF] =	sst s2;
	s17 =	sadd.s32 $0x189A00, s19;
	s3 =	sshrl.u32 s16, $0x3  }
0x7: {  	_ =	strace $0x80000047;
	s4 =	sadd.s32 s17, s3;
	s3 =	simm.s32 $0x2  }
0x8: {  	[tilespmem:s2], [sflag:$0x2] =	stream.linear.gather [hbm4b:s4+s2], $0x190, $0x38;
	[tilespmem:$0x11080] =	vst v63  }
0x9: {  	_ =	swait.ge [sflag:s3], $0x190  }
0xa: {  	s6 =	simm.s32 $0x190;
	s7 =	simm.s32 $0x800;
	[sflag:s3] =	ssyncset.done $0x0  }
0xb: {  	s8 =	simm.s32 $0x1;
	s5 =	sadd.s32 $0x18B600, s19;
	[sflag:s3] =	ssyncadd.s32 $0xFFFFFE70  }
0xc: {  	[tilespmem:s7], [sflag:$0x1] =	stream.indirect.gather [hbm4b:s5+s6], $0x80, s2, s6, $0xb8;
	[tilespmem:$0x11080] =	vst v63  }
0xd: {  	s9 =	smul.u32 $0x6400, s24;
	_ =	swait.ge [sflag:s8], $0xC800  }
0xe: {  	s18 =	sadd.s32 $0x3000, s19;
	[sflag:s8] =	ssyncset.done $0x0  }
0xf: {  	s9 =	sadd.s32 s18, s9;
	[sflag:s8] =	ssyncadd.s32 $0xFFFF3800  }
0x10: {  	[hbm4b:s9+s2] =	stream.linear.scatter [tilespmem:s7], [sflag:$0x2], $0xC800, $0x38;
	[tilespmem:$0x11080] =	vst v63  }
0x11: {  	s12 =	sadd.s32 $0x190, s16;
	_ =	swait.ge [sflag:s3], $0xC800  }
0x12: {  	s10 =	sshrl.u32 s12, $0x3;
	[sflag:s3] =	ssyncset.done $0x0  }
0x13: {  	s11 =	simm.s32 $0x200;
	s10 =	sadd.s32 s17, s10;
	[sflag:s3] =	ssyncadd.s32 $0xFFFF3800  }
0x14: {  	[tilespmem:s11], [sflag:$0x2] =	stream.linear.gather [hbm4b:s10+s2], $0x190, $0x38;
	[tilespmem:$0x11080] =	vst v63  }
0x15: {  	_ =	swait.ge [sflag:s3], $0x190  }
0x16: {  	[sflag:s3] =	ssyncset.done $0x0  }
0x17: {  	[sflag:s3] =	ssyncadd.s32 $0xFFFFFE70  }
0x18: {  	[tilespmem:s7], [sflag:$0x1] =	stream.indirect.gather [hbm4b:s5+s6], $0x80, s11, s6, $0xb8;
	[tilespmem:$0x11080] =	vst v63  }
0x19: {  	_ =	swait.ge [sflag:s8], $0xC800  }
0x1a: {  	s12 =	sshll.u32 s12, $0x4;
	[sflag:s8] =	ssyncset.done $0x0  }
0x1b: {  	s12 =	sadd.s32 s18, s12;
	[sflag:s8] =	ssyncadd.s32 $0xFFFF3800  }
0x1c: {  	[hbm4b:s12+s2] =	stream.linear.scatter [tilespmem:s7], [sflag:$0x2], $0xC800, $0x38;
	[tilespmem:$0x11080] =	vst v63  }
0x1d: {  	s15 =	sadd.s32 $0x320, s16;
	_ =	swait.ge [sflag:s3], $0xC800  }
0x1e: {  	s13 =	sshrl.u32 s15, $0x3;
	[sflag:s3] =	ssyncset.done $0x0  }
0x1f: {  	s14 =	simm.s32 $0x400;
	s13 =	sadd.s32 s17, s13;
	[sflag:s3] =	ssyncadd.s32 $0xFFFF3800  }
0x20: {  	[tilespmem:s14], [sflag:$0x2] =	stream.linear.gather [hbm4b:s13+s2], $0x190, $0x38;
	[tilespmem:$0x11080] =	vst v63  }
0x21: {  	_ =	swait.ge [sflag:s3], $0x190  }
0x22: {  	[sflag:s3] =	ssyncset.done $0x0  }
0x23: {  	[sflag:s3] =	ssyncadd.s32 $0xFFFFFE70  }
0x24: {  	[tilespmem:s7], [sflag:$0x1] =	stream.indirect.gather [hbm4b:s5+s6], $0x80, s14, s6, $0xb8;
	[tilespmem:$0x11080] =	vst v63  }
0x25: {  	_ =	swait.ge [sflag:s8], $0xC800  }
0x26: {  	s15 =	sshll.u32 s15, $0x4;
	[sflag:s8] =	ssyncset.done $0x0  }
0x27: {  	s15 =	sadd.s32 s18, s15;
	[sflag:s8] =	ssyncadd.s32 $0xFFFF3800  }
0x28: {  	[hbm4b:s15+s2] =	stream.linear.scatter [tilespmem:s7], [sflag:$0x2], $0xC800, $0x38;
	[tilespmem:$0x11080] =	vst v63  }
0x29: {  	s20 =	sadd.s32 $0x4B0, s16;
	_ =	swait.ge [sflag:s3], $0xC800  }
0x2a: {  	s16 =	sshrl.u32 s20, $0x3;
	[sflag:s3] =	ssyncset.done $0x0  }
0x2b: {  	s16 =	sadd.s32 s17, s16;
	s17 =	simm.s32 $0x600;
	[sflag:s3] =	ssyncadd.s32 $0xFFFF3800  }
0x2c: {  	[tilespmem:s17], [sflag:$0x2] =	stream.linear.gather [hbm4b:s16+s2], $0x190, $0x38;
	[tilespmem:$0x11080] =	vst v63  }
0x2d: {  	_ =	swait.ge [sflag:s3], $0x190  }
0x2e: {  	[sflag:s3] =	ssyncset.done $0x0  }
0x2f: {  	[sflag:s3] =	ssyncadd.s32 $0xFFFFFE70  }
0x30: {  	[tilespmem:s7], [sflag:$0x1] =	stream.indirect.gather [hbm4b:s5+s6], $0x80, s17, s6, $0xb8;
	[tilespmem:$0x11080] =	vst v63  }
0x31: {  	_ =	swait.ge [sflag:s8], $0xC800  }
0x32: {  	s20 =	sshll.u32 s20, $0x4;
	[sflag:s8] =	ssyncset.done $0x0  }
0x33: {  	s18 =	sadd.s32 s18, s20;
	[sflag:s8] =	ssyncadd.s32 $0xFFFF3800  }
0x34: {  	[hbm4b:s18+s2] =	stream.linear.scatter [tilespmem:s7], [sflag:$0x2], $0xC800, $0x38;
	[tilespmem:$0x11080] =	vst v63  }
0x35: {  	s30 =	sshll.u32 s24, $0x4;
	_ =	swait.ge [sflag:s3], $0xC800  }
0x36: {  	s25 =	ssub.s32 $0x2, s21;
	s19 =	sadd.s32 s30, s19;
	[sflag:s3] =	ssyncset.done $0x0  }
0x37: {  	s19 =	sadd.s32 $0x18B400, s19;
	s20 =	simm.s32 $0xD000;
	[sflag:s3] =	ssyncadd.s32 $0xFFFF3800  }
0x38: {  	[tilespmem:s20], [sflag:$0x2] =	stream.linear.gather [hbm4b:s19+s2], $0x80, $0x38;
	[tilespmem:$0x11080] =	vst v63  }
0x39: {  	s26 =	sshrl.u32 s25, $0x1;
	_ =	swait.ge [sflag:s3], $0x80  }
0x3a: {  	s22 =	simm.s32 $0xD080;
	s25 =	ssub.s32 s25, s26;
	[sflag:s3] =	ssyncset.done $0x0  }
0x3b: {  	s21 =	simm.s32 $0x80;
	s31 =	smax.u32 s25, $0x1;
	[sflag:s3] =	ssyncadd.s32 $0xFFFFFF80  }
0x3c: {  	[tilespmem:s22], [sflag:$0x1] =	stream.indirect.gather [hbm4b:s5+s21], $0x80, s20, s21, $0xb8;
	[tilespmem:$0x11080] =	vst v63  }
0x3d: {  	p0 =	sne.s32 s31, $0x1;
	_ =	swait.ge [sflag:s8], $0x4000  }
.Ltmp0:
0x3e: {  	s24 =	sshll.u32 s24, $0xB;
	[sflag:s8] =	ssyncset.done $0x0;
	(pc) =	sbr.rel @!p0 .LBB2_2-.Ltmp0, $4  }
0x3f: {  	s23 =	sadd.s32 s23, s24;
	[sflag:s8] =	ssyncadd.s32 $0xFFFFC000  }
0x40: {  	[hbm4b:s23+s2] =	stream.linear.scatter [tilespmem:s22], [sflag:$0x2], $0x4000, $0x38;
	[tilespmem:$0x11080] =	vst v63  }
0x41: {  	_ =	swait.ge [sflag:s3], $0x4000  }
0x42: {  	s24 =	sadd.s32 $0xFFFFFFFF, s31;
	[sflag:s3] =	ssyncset.done $0x0  }
.LBB2_1:
0x43: {  	p0 =	sne.s32 s24, $0x1;
	s24 =	sadd.s32 $0xFFFFFFFF, s24;
	[sflag:s3] =	ssyncadd.s32 $0xFFFFC000  }
0x44: {  	[tilespmem:s2], [sflag:$0x2] =	stream.linear.gather [hbm4b:s4+s2], $0x190, $0x38;
	[tilespmem:$0x11080] =	vst v63  }
0x45: {  	_ =	swait.ge [sflag:s3], $0x190  }
0x46: {  	[sflag:s3] =	ssyncset.done $0x0  }
0x47: {  	[sflag:s3] =	ssyncadd.s32 $0xFFFFFE70  }
0x48: {  	[tilespmem:s7], [sflag:$0x1] =	stream.indirect.gather [hbm4b:s5+s6], $0x80, s2, s6, $0xb8;
	[tilespmem:$0x11080] =	vst v63  }
0x49: {  	_ =	swait.ge [sflag:s8], $0xC800  }
0x4a: {  	[sflag:s8] =	ssyncset.done $0x0  }
0x4b: {  	[sflag:s8] =	ssyncadd.s32 $0xFFFF3800  }
0x4c: {  	[hbm4b:s9+s2] =	stream.linear.scatter [tilespmem:s7], [sflag:$0x2], $0xC800, $0x38;
	[tilespmem:$0x11080] =	vst v63  }
0x4d: {  	_ =	swait.ge [sflag:s3], $0xC800  }
0x4e: {  	[sflag:s3] =	ssyncset.done $0x0  }
0x4f: {  	[sflag:s3] =	ssyncadd.s32 $0xFFFF3800  }
0x50: {  	[tilespmem:s11], [sflag:$0x2] =	stream.linear.gather [hbm4b:s10+s2], $0x190, $0x38;
	[tilespmem:$0x11080] =	vst v63  }
0x51: {  	_ =	swait.ge [sflag:s3], $0x190  }
0x52: {  	[sflag:s3] =	ssyncset.done $0x0  }
0x53: {  	[sflag:s3] =	ssyncadd.s32 $0xFFFFFE70  }
0x54: {  	[tilespmem:s7], [sflag:$0x1] =	stream.indirect.gather [hbm4b:s5+s6], $0x80, s11, s6, $0xb8;
	[tilespmem:$0x11080] =	vst v63  }
0x55: {  	_ =	swait.ge [sflag:s8], $0xC800  }
0x56: {  	[sflag:s8] =	ssyncset.done $0x0  }
0x57: {  	[sflag:s8] =	ssyncadd.s32 $0xFFFF3800  }
0x58: {  	[hbm4b:s12+s2] =	stream.linear.scatter [tilespmem:s7], [sflag:$0x2], $0xC800, $0x38;
	[tilespmem:$0x11080] =	vst v63  }
0x59: {  	_ =	swait.ge [sflag:s3], $0xC800  }
0x5a: {  	[sflag:s3] =	ssyncset.done $0x0  }
0x5b: {  	[sflag:s3] =	ssyncadd.s32 $0xFFFF3800  }
0x5c: {  	[tilespmem:s14], [sflag:$0x2] =	stream.linear.gather [hbm4b:s13+s2], $0x190, $0x38;
	[tilespmem:$0x11080] =	vst v63  }
0x5d: {  	_ =	swait.ge [sflag:s3], $0x190  }
0x5e: {  	[sflag:s3] =	ssyncset.done $0x0  }
0x5f: {  	[sflag:s3] =	ssyncadd.s32 $0xFFFFFE70  }
0x60: {  	[tilespmem:s7], [sflag:$0x1] =	stream.indirect.gather [hbm4b:s5+s6], $0x80, s14, s6, $0xb8;
	[tilespmem:$0x11080] =	vst v63  }
0x61: {  	_ =	swait.ge [sflag:s8], $0xC800  }
0x62: {  	[sflag:s8] =	ssyncset.done $0x0  }
0x63: {  	[sflag:s8] =	ssyncadd.s32 $0xFFFF3800  }
0x64: {  	[hbm4b:s15+s2] =	stream.linear.scatter [tilespmem:s7], [sflag:$0x2], $0xC800, $0x38;
	[tilespmem:$0x11080] =	vst v63  }
0x65: {  	_ =	swait.ge [sflag:s3], $0xC800  }
0x66: {  	[sflag:s3] =	ssyncset.done $0x0  }
0x67: {  	[sflag:s3] =	ssyncadd.s32 $0xFFFF3800  }
0x68: {  	[tilespmem:s17], [sflag:$0x2] =	stream.linear.gather [hbm4b:s16+s2], $0x190, $0x38;
	[tilespmem:$0x11080] =	vst v63  }
0x69: {  	_ =	swait.ge [sflag:s3], $0x190  }
0x6a: {  	[sflag:s3] =	ssyncset.done $0x0  }
0x6b: {  	[sflag:s3] =	ssyncadd.s32 $0xFFFFFE70  }
0x6c: {  	[tilespmem:s7], [sflag:$0x1] =	stream.indirect.gather [hbm4b:s5+s6], $0x80, s17, s6, $0xb8;
	[tilespmem:$0x11080] =	vst v63  }
0x6d: {  	_ =	swait.ge [sflag:s8], $0xC800  }
0x6e: {  	[sflag:s8] =	ssyncset.done $0x0  }
0x6f: {  	[sflag:s8] =	ssyncadd.s32 $0xFFFF3800  }
0x70: {  	[hbm4b:s18+s2] =	stream.linear.scatter [tilespmem:s7], [sflag:$0x2], $0xC800, $0x38;
	[tilespmem:$0x11080] =	vst v63  }
0x71: {  	_ =	swait.ge [sflag:s3], $0xC800  }
0x72: {  	[sflag:s3] =	ssyncset.done $0x0  }
0x73: {  	[sflag:s3] =	ssyncadd.s32 $0xFFFF3800  }
0x74: {  	[tilespmem:s20], [sflag:$0x2] =	stream.linear.gather [hbm4b:s19+s2], $0x80, $0x38;
	[tilespmem:$0x11080] =	vst v63  }
0x75: {  	_ =	swait.ge [sflag:s3], $0x80  }
0x76: {  	[sflag:s3] =	ssyncset.done $0x0  }
0x77: {  	[sflag:s3] =	ssyncadd.s32 $0xFFFFFF80  }
0x78: {  	[tilespmem:s22], [sflag:$0x1] =	stream.indirect.gather [hbm4b:s5+s21], $0x80, s20, s21, $0xb8;
	[tilespmem:$0x11080] =	vst v63  }
0x79: {  	_ =	swait.ge [sflag:s8], $0x4000  }
.Ltmp1:
0x7a: {  	[sflag:s8] =	ssyncset.done $0x0;
	(pc) =	sbr.rel @p0 .LBB2_1-.Ltmp1, $4  }
0x7b: {  	[sflag:s8] =	ssyncadd.s32 $0xFFFFC000  }
0x7c: {  	[hbm4b:s23+s2] =	stream.linear.scatter [tilespmem:s22], [sflag:$0x2], $0x4000, $0x38;
	[tilespmem:$0x11080] =	vst v63  }
0x7d: {  	_ =	swait.ge [sflag:s3], $0x4000  }
0x7e: {  	[sflag:s3] =	ssyncset.done $0x0  }
.LBB2_2:
0x7f: {  	[sflag:s3] =	ssyncadd.s32 $0xFFFFC000  }
0x80: {  	_ =	sfence.sel $0x180000  }
0x81: {  	[bflag:$0x0] =	sbarrier.arrive $0xFFFF  }
0x82: {  	p0 =	sne.s32 s0, $0x0;
	_ =	strace $0x90000047  }
0x83: {  	s0 =	sadd.s32 @!p0 $0x100000, s1;
	[bflag:$0x2] =	sbarrier.arrive $0xFFFF  }
0x84: {  	[sflag:s0] =	ssyncadd.tile.s32 @!p0 $0x1;
	_ =	shalt  }
.Lfunc_end2:
_tile_overlayer_lowered:
.L_overlay_start_2:
0x85: {  	(tag) =	ssettag $0x2  }
0x86: {  	s0 =	rddreg [dreg:$0x0];
	s2 =	stileid.u32  }
0x87: {  	s1 =	rddreg [dreg:$0x1];
	p0 =	sne.s32 s2, $0x0  }
0x88: {  	s3 =	rddreg [dreg:$0x2];
	[bflag:$0x3] =	sbarrier.arrive $0xFFFF;
	s2 =	simm.s32 @!p0 $0x1C02  }
0x89: {  	[timem:s3], [sflag:s2] =	dma.local @!p0 [hbm:s0], s1  }
0x8a: {  	s0 =	simm.s32 @!p0 $0x2  }
0x8b: {  	_ =	swait.ge @!p0 [sflag:s0], s1  }
0x8c: {  	s1 =	ssub.s32 @!p0 $0x0, s1;
	[sflag:s0] =	ssyncset.done @!p0 $0x0  }
0x8d: {  	[sflag:s0] =	ssyncadd.s32 @!p0 s1  }
0x8e: {  	[bflag:$0x3] =	sbarrier.arrive $0xFFFF  }
0x8f: {  	_ =	shalt  }

</sc_bundles>
